<compile_context>
chip_gen: v7x
topology: tpu7x:2x2x1
jax: 0.10.2.dev20260603
libtpu: 0.0.44.dev20260713+nightly
codegen_flags: <defaults>
</compile_context>

<pallas_src>
import functools

import jax
import jax.numpy as jnp
from jax import lax
from jax.experimental import pallas as pl
from jax.experimental.pallas import tpu as pltpu
from jax.experimental.pallas import tpu_sc as plsc

N = 10000
E = 320000
D = 128
H = 32
A = 8

NP = 10240
C = 128
K = 79
EW = K * C
EP = 32 * EW
RPT = NP // 16

@functools.lru_cache(maxsize=None)
def _get_sc_degree():
  mesh = plsc.VectorSubcoreMesh(core_axis_name="c", subcore_axis_name="s")

  @functools.partial(
      pl.kernel,
      out_type=jax.ShapeDtypeStruct((2, NP), jnp.float32),
      mesh=mesh,
      scratch_types=[
          pltpu.VMEM((K, C), jnp.int32),
          pltpu.VMEM((C,), jnp.float32),
          pltpu.VMEM_SHARED((NP,), jnp.float32),
      ],
  )
  def _sc_degree(dst_hbm, zeros_hbm, out_hbm, idx_v, ones_v, deg_sh):
    c = lax.axis_index("c")
    s = lax.axis_index("s")
    w = c * 16 + s
    for i in range(C // 16):
      ones_v[pl.ds(i * 16, 16)] = jnp.full((16,), 1.0, jnp.float32)
    r0 = s * RPT
    pltpu.sync_copy(zeros_hbm, deg_sh.at[pl.ds(r0, RPT)])
    pltpu.sync_copy(dst_hbm.at[w], idx_v)
    plsc.subcore_barrier()

    def body(k, _):
      pltpu.sync_copy(ones_v, deg_sh.at[idx_v.at[k]], add=True)
      return ()

    lax.fori_loop(0, K, body, ())
    plsc.subcore_barrier()
    pltpu.sync_copy(deg_sh.at[pl.ds(r0, RPT)], out_hbm.at[c, pl.ds(r0, RPT)])

  return _sc_degree


def _sc_degree(dstp, zeros1):
  return _get_sc_degree()(dstp, zeros1)


@functools.lru_cache(maxsize=None)
def _get_sc_aggregate():
  mesh = plsc.VectorSubcoreMesh(core_axis_name="c", subcore_axis_name="s")

  @functools.partial(
      pl.kernel,
      out_type=jax.ShapeDtypeStruct((2, NP, D), jnp.float32),
      mesh=mesh,
      scratch_types=[
          pltpu.VMEM((2, C), jnp.int32),
          pltpu.VMEM((2, C), jnp.int32),
          pltpu.VMEM((C, D), jnp.float32),
          pltpu.VMEM((C, D), jnp.float32),
          pltpu.VMEM_SHARED((NP, D), jnp.float32),
          pltpu.SemaphoreType.DMA,
          pltpu.SemaphoreType.DMA,
      ],
  )
  def _sc_agg(eidx_hbm, hs_hbm, zeros_hbm, out_hbm,
              ib_a, ib_b, buf_a, buf_b, agg_sh, sem_a, sem_b):
    c = lax.axis_index("c")
    s = lax.axis_index("s")
    w = c * 16 + s
    r0 = s * RPT

    pltpu.sync_copy(eidx_hbm.at[w, 0], ib_a)
    pltpu.async_copy(hs_hbm.at[ib_a.at[0]], buf_a, sem_a)

    @pl.when(c == 0)
    def _():
      @pl.when(s < 15)
      def _():
        pltpu.sync_copy(hs_hbm.at[pl.ds(r0, RPT)], agg_sh.at[pl.ds(r0, RPT)])

      @pl.when(s == 15)
      def _():
        pltpu.sync_copy(hs_hbm.at[pl.ds(15 * RPT, N - 15 * RPT)],
                        agg_sh.at[pl.ds(15 * RPT, N - 15 * RPT)])
        pltpu.sync_copy(zeros_hbm.at[pl.ds(0, NP - N)],
                        agg_sh.at[pl.ds(N, NP - N)])

    @pl.when(c == 1)
    def _():
      pltpu.sync_copy(zeros_hbm, agg_sh.at[pl.ds(r0, RPT)])

    plsc.subcore_barrier()


    def body(j, _):
      ka = 2 * j
      pltpu.sync_copy(eidx_hbm.at[w, ka + 1], ib_b)
      pltpu.async_copy(hs_hbm.at[ib_b.at[0]], buf_b, sem_b)
      pltpu.make_async_copy(hs_hbm.at[ib_a.at[0]], buf_a, sem_a).wait()
      pltpu.sync_copy(buf_a, agg_sh.at[ib_a.at[1]], add=True)
      pltpu.sync_copy(eidx_hbm.at[w, ka + 2], ib_a)
      pltpu.async_copy(hs_hbm.at[ib_a.at[0]], buf_a, sem_a)
      pltpu.make_async_copy(hs_hbm.at[ib_b.at[0]], buf_b, sem_b).wait()
      pltpu.sync_copy(buf_b, agg_sh.at[ib_b.at[1]], add=True)
      return ()

    lax.fori_loop(0, (K - 1) // 2, body, ())
    pltpu.make_async_copy(hs_hbm.at[ib_a.at[0]], buf_a, sem_a).wait()
    pltpu.sync_copy(buf_a, agg_sh.at[ib_a.at[1]], add=True)

    plsc.subcore_barrier()
    pltpu.sync_copy(agg_sh.at[pl.ds(r0, RPT)], out_hbm.at[c, pl.ds(r0, RPT)])

  return _sc_agg


def _sc_aggregate(eidx, hs, zeros2):
  return _get_sc_aggregate()(eidx, hs, zeros2)


def _tc_scale_body(state_ref, degt_ref, w_ref, hs_ref, dinv_ref):
    d = degt_ref[...].sum(axis=1, keepdims=True) + 1.0
    dinv = lax.rsqrt(d)
    h = jnp.dot(state_ref[...], w_ref[...], preferred_element_type=jnp.float32)
    hs_ref[...] = h * dinv
    dinv_ref[...] = dinv


def _tc_scale(state, degt, w_gcn, rb=2000):
    grid = N // rb
    return pl.pallas_call(
        _tc_scale_body,
        grid=(grid,),
        in_specs=[
            pl.BlockSpec((rb, D), lambda i: (i, 0)),
            pl.BlockSpec((rb, 2), lambda i: (i, 0)),
            pl.BlockSpec((D, D), lambda i: (0, 0)),
        ],
        out_specs=[
            pl.BlockSpec((rb, D), lambda i: (i, 0)),
            pl.BlockSpec((rb, 1), lambda i: (i, 0)),
        ],
        out_shape=[
            jax.ShapeDtypeStruct((N, D), jnp.float32),
            jax.ShapeDtypeStruct((N, 1), jnp.float32),
        ],
    )(state, degt, w_gcn)


def _softplus(z):
    return jnp.maximum(z, 0.0) + jnp.log(1.0 + jnp.exp(-jnp.abs(z)))


def _leaky(z):
    return jnp.where(z >= 0.0, z, 0.01 * z)


def _tc_head_body(a4_ref, dinv_ref, st_ref, bg_ref, w1_ref, b1_ref,
                  w2_ref, b2_ref, w3_ref, b3_ref, act_ref, reg_ref):
    x = (a4_ref[0] + a4_ref[1]) * dinv_ref[...] + bg_ref[...]
    x = jnp.maximum(x, 0.0) + st_ref[...]
    cols = []
    for a in range(A):
        xa = x[:, a, :]
        m = _leaky(jnp.dot(xa, w1_ref[...], preferred_element_type=jnp.float32)
                   + b1_ref[...])
        m = _leaky(jnp.dot(m, w2_ref[...], preferred_element_type=jnp.float32)
                   + b2_ref[...])
        z = jnp.dot(m, w3_ref[...], preferred_element_type=jnp.float32) \
            + b3_ref[...]
        cols.append(_softplus(z))
    conc = jnp.concatenate(cols, axis=1)
    gsum = jnp.sum(conc, axis=1, keepdims=True) + 1e-20
    act_ref[...] = conc / gsum
    reg_ref[...] = jnp.sum(jnp.abs(conc), axis=(0, 1), keepdims=True) / N


def _tc_head(a4, dinv3, st3, bg3, w1, b1, w2, b2, w3, b3):
    g = N // A
    full2 = lambda shp: pl.BlockSpec(shp, lambda i: (0, 0))
    return pl.pallas_call(
        _tc_head_body,
        grid=(1,),
        in_specs=[
            pl.BlockSpec((2, g, A, D), lambda i: (0, 0, 0, 0)),
            pl.BlockSpec((g, A, 1), lambda i: (0, 0, 0)),
            pl.BlockSpec((g, A, D), lambda i: (0, 0, 0)),
            pl.BlockSpec((1, 1, D), lambda i: (0, 0, 0)),
            full2((D, H)),
            full2((1, H)),
            full2((H, H)),
            full2((1, H)),
            full2((H, 1)),
            full2((1, 1)),
        ],
        out_specs=[
            pl.BlockSpec((g, A), lambda i: (0, 0)),
            pl.BlockSpec((1, 1), lambda i: (0, 0)),
        ],
        out_shape=[
            jax.ShapeDtypeStruct((g, A), jnp.float32),
            jax.ShapeDtypeStruct((1, 1), jnp.float32),
        ],
    )(a4, dinv3, st3, bg3, w1, b1, w2, b2, w3, b3)


def kernel(state, edge_index, deterministic, W_gcn, b_gcn, W1, b1, W2, b2, W3, b3):
    f32 = jnp.float32
    npad = EP - E
    padsrc = jnp.arange(npad, dtype=jnp.int32)
    paddst = N + jnp.arange(npad, dtype=jnp.int32) % (NP - N)
    srcp = jnp.concatenate([edge_index[0], padsrc]).reshape(32, K, 1, C)
    dstp = jnp.concatenate([edge_index[1], paddst]).reshape(32, K, 1, C)
    eidx = jnp.concatenate([srcp, dstp], axis=2)
    zeros1 = jnp.zeros((RPT,), f32)
    zeros2 = jnp.zeros((RPT, D), f32)

    deg = _sc_degree(dstp.reshape(32, K, C), zeros1)
    degt = jnp.transpose(deg)[:N]
    hs, dinv = _tc_scale(state, degt, W_gcn)
    agg = _sc_aggregate(eidx, hs, zeros2)

    a4 = agg.reshape(2, NP // A, A, D)
    dinv3 = dinv.reshape(N // A, A, 1)
    st3 = state.reshape(N // A, A, D)
    bg3 = b_gcn.reshape(1, 1, D)
    action, reg = _tc_head(a4, dinv3, st3, bg3,
                           W1, b1.reshape(1, H), W2, b2.reshape(1, H),
                           W3, b3.reshape(1, 1))
    regularize = reg.reshape(())
    return (action, regularize)

# --- scband reference (transcript-rebuilt; emitter-appended) ---
"""Pipeline reference for scband-gnnactor-old-3676492005377 (READ-ONLY COPY).

The authoritative reference and input builder live on the scoring server;
editing this copy changes nothing except your own understanding.
"""

import jax, jax.numpy as jnp
import numpy as np

N = 10000
E = 320000
D = 128
H = 32
A = 8


def setup_inputs(seed: int = 0) -> dict:
    key = jax.random.key(seed)
    ks = jax.random.split(key, 10)
    state = jax.random.normal(ks[0], (N, D), dtype=jnp.float32)
    edge_index = jax.random.randint(ks[1], (2, E), 0, N, dtype=jnp.int32)
    W_gcn = 0.05 * jax.random.normal(ks[2], (D, D), dtype=jnp.float32)
    b_gcn = jnp.zeros((D,), dtype=jnp.float32)
    W1 = 0.05 * jax.random.normal(ks[3], (D, H), dtype=jnp.float32)
    b1 = jnp.zeros((H,), dtype=jnp.float32)
    W2 = 0.05 * jax.random.normal(ks[4], (H, H), dtype=jnp.float32)
    b2 = jnp.zeros((H,), dtype=jnp.float32)
    W3 = 0.05 * jax.random.normal(ks[5], (H, 1), dtype=jnp.float32)
    b3 = jnp.zeros((1,), dtype=jnp.float32)
    return {
        "state": state,
        "edge_index": edge_index,
        "deterministic": 1,
        "W_gcn": W_gcn,
        "b_gcn": b_gcn,
        "W1": W1,
        "b1": b1,
        "W2": W2,
        "b2": b2,
        "W3": W3,
        "b3": b3,
    }


def _gcn_conv(x, edge_index, W, b):
    # PyG GCNConv with add_self_loops=True and symmetric normalization
    n = x.shape[0]
    loop = jnp.arange(n, dtype=edge_index.dtype)
    src = jnp.concatenate([edge_index[0], loop])
    dst = jnp.concatenate([edge_index[1], loop])
    deg = jnp.zeros((n,), dtype=x.dtype).at[dst].add(1.0)
    dinv = jnp.where(deg > 0, jax.lax.rsqrt(jnp.maximum(deg, 1e-12)), 0.0)
    norm = dinv[src] * dinv[dst]
    h = x @ W
    msg = h[src] * norm[:, None]
    out = jnp.zeros_like(h).at[dst].add(msg)
    return out + b


def reference(state, edge_index, deterministic, W_gcn, b_gcn, W1, b1, W2, b2, W3, b3):
    out = jax.nn.relu(_gcn_conv(state, edge_index, W_gcn, b_gcn))
    x = out + state
    x = x.reshape(-1, A, D)
    x = jax.nn.leaky_relu(x @ W1 + b1, 0.01)
    x = jax.nn.leaky_relu(x @ W2 + b2, 0.01)
    x = jax.nn.softplus(x @ W3 + b3)
    concentration = jnp.squeeze(x, -1)
    # deterministic branch: normalized concentration as the action
    action = concentration / (jnp.sum(concentration, axis=-1, keepdims=True) + 1e-20)
    regularize = jnp.mean(jnp.abs(concentration))
    return (action, regularize)

if __name__ == "__main__":
    import jax
    _d = setup_inputs()
    print(jax.jit(kernel)(*tuple(_d.values())))

</pallas_src>

<mosaic_0001>
#map = affine_map<(d0, d1) -> (0, 0, 0, 0)>
#map1 = affine_map<(d0, d1) -> (0, 0)>
#map2 = affine_map<(d0, d1) -> (0, 0, 0)>
module attributes {stable_mosaic.version = 14 : i64} {
  func.func @_sc_agg(%arg0: i32, %arg1: i32, %arg2: memref<32x79x2x128xi32, #tpu.memory_space<hbm>>, %arg3: memref<10000x128xf32, #tpu.memory_space<hbm>>, %arg4: memref<640x128xf32, #tpu.memory_space<hbm>>, %arg5: memref<2x10240x128xf32, #tpu.memory_space<hbm>>, %arg6: memref<2x128xi32, #tpu.memory_space<vmem>>, %arg7: memref<2x128xi32, #tpu.memory_space<vmem>>, %arg8: memref<128x128xf32, #tpu.memory_space<vmem>>, %arg9: memref<128x128xf32, #tpu.memory_space<vmem>>, %arg10: memref<10240x128xf32, #tpu.memory_space<vmem_shared>>, %arg11: memref<!tpu.dma_semaphore, #tpu.memory_space<semaphore_mem>>, %arg12: memref<!tpu.dma_semaphore, #tpu.memory_space<semaphore_mem>>) attributes {dimension_semantics = [#tpu.dimension_semantics<core_parallel>, #tpu.dimension_semantics<subcore_parallel>], iteration_bounds = array<i64: 2, 16>, scalar_prefetch = 0 : i64, scratch_operands = 7 : i64, tpu.core_type = #tpu.core_type<sc_vector_subcore>, window_params = [{transform_indices = #map}, {transform_indices = #map1}, {transform_indices = #map1}, {transform_indices = #map2}]} {
    %mul3A = arith.constant 16 : i32
    %mul3A_0 = arith.muli %arg0, %mul3A : i32
    %add3A = arith.addi %mul3A_0, %arg1 : i32
    %mul3A_1 = arith.constant 640 : i32
    %mul3A_2 = arith.muli %arg1, %mul3A_1 : i32
    %run_scoped3A = arith.constant 0 : i32
    "tpu.region"() ({
      %run_scoped3A_28 = tpu.sem_alloc : memref<!tpu.dma_semaphore, #tpu.memory_space<semaphore_mem>>
      %dma_start3A_29 = arith.constant 0 : i32
      %dma_start3A_30 = arith.constant 0 : i32
      %dma_start3A_31 = tpu.memref_slice %arg2[%add3A, %run_scoped3A, %dma_start3A_29, %dma_start3A_30] : memref<32x79x2x128xi32, #tpu.memory_space<hbm>> -> memref<1x1x2x128xi32, #tpu.memory_space<hbm>>
      %dma_start3A_32 = tpu.memref_squeeze %dma_start3A_31 : memref<1x1x2x128xi32, #tpu.memory_space<hbm>> -> memref<2x128xi32, #tpu.memory_space<hbm>>
      %dma_start3A_33 = arith.constant 0 : i32
      %dma_start3A_34 = arith.constant 0 : i32
      %dma_start3A_35 = tpu.memref_slice %arg2[%add3A, %run_scoped3A, %dma_start3A_33, %dma_start3A_34] : memref<32x79x2x128xi32, #tpu.memory_space<hbm>> -> memref<1x1x2x128xi32, #tpu.memory_space<hbm>>
      %dma_start3A_36 = tpu.memref_squeeze %dma_start3A_35 : memref<1x1x2x128xi32, #tpu.memory_space<hbm>> -> memref<2x128xi32, #tpu.memory_space<hbm>>
      tpu.enqueue_dma source(%dma_start3A_36 : memref<2x128xi32, #tpu.memory_space<hbm>>) target(%arg6 : memref<2x128xi32, #tpu.memory_space<vmem>>) target_semaphore(%run_scoped3A_28 : memref<!tpu.dma_semaphore, #tpu.memory_space<semaphore_mem>>)
      %dma_wait3A_37 = arith.constant 0 : i32
      %dma_wait3A_38 = arith.constant 0 : i32
      %dma_wait3A_39 = tpu.memref_slice %arg2[%add3A, %run_scoped3A, %dma_wait3A_37, %dma_wait3A_38] : memref<32x79x2x128xi32, #tpu.memory_space<hbm>> -> memref<1x1x2x128xi32, #tpu.memory_space<hbm>>
      %dma_wait3A_40 = tpu.memref_squeeze %dma_wait3A_39 : memref<1x1x2x128xi32, #tpu.memory_space<hbm>> -> memref<2x128xi32, #tpu.memory_space<hbm>>
      %dma_wait3A_41 = arith.constant 0 : i32
      %dma_wait3A_42 = arith.constant 0 : i32
      %dma_wait3A_43 = tpu.memref_slice %arg2[%add3A, %run_scoped3A, %dma_wait3A_41, %dma_wait3A_42] : memref<32x79x2x128xi32, #tpu.memory_space<hbm>> -> memref<1x1x2x128xi32, #tpu.memory_space<hbm>>
      %dma_wait3A_44 = tpu.memref_squeeze %dma_wait3A_43 : memref<1x1x2x128xi32, #tpu.memory_space<hbm>> -> memref<2x128xi32, #tpu.memory_space<hbm>>
      tpu.wait_dma2 semaphore(%run_scoped3A_28 : memref<!tpu.dma_semaphore, #tpu.memory_space<semaphore_mem>>) src(%dma_wait3A_44 : memref<2x128xi32, #tpu.memory_space<hbm>>) dst(%arg6 : memref<2x128xi32, #tpu.memory_space<vmem>>)
      tpu.yield
    }) : () -> ()
    %dma_start3A = arith.constant 0 : i32
    %dma_start3A_3 = arith.constant 0 : i32
    %dma_start3A_4 = tpu.memref_slice %arg6[%dma_start3A, %dma_start3A_3] : memref<2x128xi32, #tpu.memory_space<vmem>> -> memref<1x128xi32, #tpu.memory_space<vmem>>
    %dma_start3A_5 = tpu.memref_squeeze %dma_start3A_4 : memref<1x128xi32, #tpu.memory_space<vmem>> -> memref<128xi32, #tpu.memory_space<vmem>>
    %dma_start3A_6 = arith.constant 0 : i32
    %dma_start3A_7 = arith.constant 0 : i32
    %dma_start3A_8 = tpu.memref_slice %arg3[%dma_start3A_6, %dma_start3A_7] : memref<10000x128xf32, #tpu.memory_space<hbm>> -> memref<10000x128xf32, #tpu.memory_space<hbm>>
    tpu.enqueue_indirect_dma source(%dma_start3A_8 : memref<10000x128xf32, #tpu.memory_space<hbm>>) target(%arg8 : memref<128x128xf32, #tpu.memory_space<vmem>>) offsets(%dma_start3A_5 : memref<128xi32, #tpu.memory_space<vmem>>) semaphore(%arg11 : memref<!tpu.dma_semaphore, #tpu.memory_space<semaphore_mem>>)
    %eq3A = arith.constant 0 : i32
    %eq3A_9 = arith.cmpi eq, %arg0, %eq3A : i32
    %convert_element_type3A = arith.extui %eq3A_9 : i1 to i32
    %cond3A = arith.constant 0 : i32
    %cond3A_10 = arith.cmpi ne, %convert_element_type3A, %cond3A : i32
    scf.if %cond3A_10 {
      %lt3A = arith.constant 15 : i32
      %lt3A_28 = arith.cmpi slt, %arg1, %lt3A : i32
      %convert_element_type3A_29 = arith.extui %lt3A_28 : i1 to i32
      %cond3A_30 = arith.constant 0 : i32
      %cond3A_31 = arith.cmpi ne, %convert_element_type3A_29, %cond3A_30 : i32
      scf.if %cond3A_31 {
        "tpu.region"() ({
          %run_scoped3A_37 = tpu.sem_alloc : memref<!tpu.dma_semaphore, #tpu.memory_space<semaphore_mem>>
          %dma_start3A_38 = arith.constant 0 : i32
          %dma_start3A_39 = tpu.memref_slice %arg10[%mul3A_2, %dma_start3A_38] : memref<10240x128xf32, #tpu.memory_space<vmem_shared>> -> memref<640x128xf32, #tpu.memory_space<vmem_shared>>
          %dma_start3A_40 = arith.constant 0 : i32
          %dma_start3A_41 = tpu.memref_slice %arg3[%mul3A_2, %dma_start3A_40] : memref<10000x128xf32, #tpu.memory_space<hbm>> -> memref<640x128xf32, #tpu.memory_space<hbm>>
          tpu.enqueue_dma source(%dma_start3A_41 : memref<640x128xf32, #tpu.memory_space<hbm>>) target(%dma_start3A_39 : memref<640x128xf32, #tpu.memory_space<vmem_shared>>) target_semaphore(%run_scoped3A_37 : memref<!tpu.dma_semaphore, #tpu.memory_space<semaphore_mem>>)
          %dma_wait3A_42 = arith.constant 0 : i32
          %dma_wait3A_43 = tpu.memref_slice %arg10[%mul3A_2, %dma_wait3A_42] : memref<10240x128xf32, #tpu.memory_space<vmem_shared>> -> memref<640x128xf32, #tpu.memory_space<vmem_shared>>
          %dma_wait3A_44 = arith.constant 0 : i32
          %dma_wait3A_45 = tpu.memref_slice %arg3[%mul3A_2, %dma_wait3A_44] : memref<10000x128xf32, #tpu.memory_space<hbm>> -> memref<640x128xf32, #tpu.memory_space<hbm>>
          tpu.wait_dma2 semaphore(%run_scoped3A_37 : memref<!tpu.dma_semaphore, #tpu.memory_space<semaphore_mem>>) src(%dma_wait3A_45 : memref<640x128xf32, #tpu.memory_space<hbm>>) dst(%dma_wait3A_43 : memref<640x128xf32, #tpu.memory_space<vmem_shared>>)
          tpu.yield
        }) : () -> ()
      } else {
      }
      %eq3A_32 = arith.constant 15 : i32
      %eq3A_33 = arith.cmpi eq, %arg1, %eq3A_32 : i32
      %convert_element_type3A_34 = arith.extui %eq3A_33 : i1 to i32
      %cond3A_35 = arith.constant 0 : i32
      %cond3A_36 = arith.cmpi ne, %convert_element_type3A_34, %cond3A_35 : i32
      scf.if %cond3A_36 {
        "tpu.region"() ({
          %run_scoped3A_37 = tpu.sem_alloc : memref<!tpu.dma_semaphore, #tpu.memory_space<semaphore_mem>>
          %dma_start3A_38 = arith.constant 9600 : i32
          %dma_start3A_39 = arith.constant 0 : i32
          %dma_start3A_40 = tpu.memref_slice %arg10[%dma_start3A_38, %dma_start3A_39] : memref<10240x128xf32, #tpu.memory_space<vmem_shared>> -> memref<400x128xf32, #tpu.memory_space<vmem_shared>>
          %dma_start3A_41 = arith.constant 9600 : i32
          %dma_start3A_42 = arith.constant 0 : i32
          %dma_start3A_43 = tpu.memref_slice %arg3[%dma_start3A_41, %dma_start3A_42] : memref<10000x128xf32, #tpu.memory_space<hbm>> -> memref<400x128xf32, #tpu.memory_space<hbm>>
          tpu.enqueue_dma source(%dma_start3A_43 : memref<400x128xf32, #tpu.memory_space<hbm>>) target(%dma_start3A_40 : memref<400x128xf32, #tpu.memory_space<vmem_shared>>) target_semaphore(%run_scoped3A_37 : memref<!tpu.dma_semaphore, #tpu.memory_space<semaphore_mem>>)
          %dma_wait3A_44 = arith.constant 9600 : i32
          %dma_wait3A_45 = arith.constant 0 : i32
          %dma_wait3A_46 = tpu.memref_slice %arg10[%dma_wait3A_44, %dma_wait3A_45] : memref<10240x128xf32, #tpu.memory_space<vmem_shared>> -> memref<400x128xf32, #tpu.memory_space<vmem_shared>>
          %dma_wait3A_47 = arith.constant 9600 : i32
          %dma_wait3A_48 = arith.constant 0 : i32
          %dma_wait3A_49 = tpu.memref_slice %arg3[%dma_wait3A_47, %dma_wait3A_48] : memref<10000x128xf32, #tpu.memory_space<hbm>> -> memref<400x128xf32, #tpu.memory_space<hbm>>
          tpu.wait_dma2 semaphore(%run_scoped3A_37 : memref<!tpu.dma_semaphore, #tpu.memory_space<semaphore_mem>>) src(%dma_wait3A_49 : memref<400x128xf32, #tpu.memory_space<hbm>>) dst(%dma_wait3A_46 : memref<400x128xf32, #tpu.memory_space<vmem_shared>>)
          tpu.yield
        }) : () -> ()
        "tpu.region"() ({
          %run_scoped3A_37 = tpu.sem_alloc : memref<!tpu.dma_semaphore, #tpu.memory_space<semaphore_mem>>
          %dma_start3A_38 = arith.constant 10000 : i32
          %dma_start3A_39 = arith.constant 0 : i32
          %dma_start3A_40 = tpu.memref_slice %arg10[%dma_start3A_38, %dma_start3A_39] : memref<10240x128xf32, #tpu.memory_space<vmem_shared>> -> memref<240x128xf32, #tpu.memory_space<vmem_shared>>
          %dma_start3A_41 = arith.constant 0 : i32
          %dma_start3A_42 = arith.constant 0 : i32
          %dma_start3A_43 = tpu.memref_slice %arg4[%dma_start3A_41, %dma_start3A_42] : memref<640x128xf32, #tpu.memory_space<hbm>> -> memref<240x128xf32, #tpu.memory_space<hbm>>
          tpu.enqueue_dma source(%dma_start3A_43 : memref<240x128xf32, #tpu.memory_space<hbm>>) target(%dma_start3A_40 : memref<240x128xf32, #tpu.memory_space<vmem_shared>>) target_semaphore(%run_scoped3A_37 : memref<!tpu.dma_semaphore, #tpu.memory_space<semaphore_mem>>)
          %dma_wait3A_44 = arith.constant 10000 : i32
          %dma_wait3A_45 = arith.constant 0 : i32
          %dma_wait3A_46 = tpu.memref_slice %arg10[%dma_wait3A_44, %dma_wait3A_45] : memref<10240x128xf32, #tpu.memory_space<vmem_shared>> -> memref<240x128xf32, #tpu.memory_space<vmem_shared>>
          %dma_wait3A_47 = arith.constant 0 : i32
          %dma_wait3A_48 = arith.constant 0 : i32
          %dma_wait3A_49 = tpu.memref_slice %arg4[%dma_wait3A_47, %dma_wait3A_48] : memref<640x128xf32, #tpu.memory_space<hbm>> -> memref<240x128xf32, #tpu.memory_space<hbm>>
          tpu.wait_dma2 semaphore(%run_scoped3A_37 : memref<!tpu.dma_semaphore, #tpu.memory_space<semaphore_mem>>) src(%dma_wait3A_49 : memref<240x128xf32, #tpu.memory_space<hbm>>) dst(%dma_wait3A_46 : memref<240x128xf32, #tpu.memory_space<vmem_shared>>)
          tpu.yield
        }) : () -> ()
      } else {
      }
    } else {
    }
    %eq3A_11 = arith.constant 1 : i32
    %eq3A_12 = arith.cmpi eq, %arg0, %eq3A_11 : i32
    %convert_element_type3A_13 = arith.extui %eq3A_12 : i1 to i32
    %cond3A_14 = arith.constant 0 : i32
    %cond3A_15 = arith.cmpi ne, %convert_element_type3A_13, %cond3A_14 : i32
    scf.if %cond3A_15 {
      "tpu.region"() ({
        %run_scoped3A_28 = tpu.sem_alloc : memref<!tpu.dma_semaphore, #tpu.memory_space<semaphore_mem>>
        %dma_start3A_29 = arith.constant 0 : i32
        %dma_start3A_30 = tpu.memref_slice %arg10[%mul3A_2, %dma_start3A_29] : memref<10240x128xf32, #tpu.memory_space<vmem_shared>> -> memref<640x128xf32, #tpu.memory_space<vmem_shared>>
        tpu.enqueue_dma source(%arg4 : memref<640x128xf32, #tpu.memory_space<hbm>>) target(%dma_start3A_30 : memref<640x128xf32, #tpu.memory_space<vmem_shared>>) target_semaphore(%run_scoped3A_28 : memref<!tpu.dma_semaphore, #tpu.memory_space<semaphore_mem>>)
        %dma_wait3A_31 = arith.constant 0 : i32
        %dma_wait3A_32 = tpu.memref_slice %arg10[%mul3A_2, %dma_wait3A_31] : memref<10240x128xf32, #tpu.memory_space<vmem_shared>> -> memref<640x128xf32, #tpu.memory_space<vmem_shared>>
        tpu.wait_dma2 semaphore(%run_scoped3A_28 : memref<!tpu.dma_semaphore, #tpu.memory_space<semaphore_mem>>) src(%arg4 : memref<640x128xf32, #tpu.memory_space<hbm>>) dst(%dma_wait3A_32 : memref<640x128xf32, #tpu.memory_space<vmem_shared>>)
        tpu.yield
      }) : () -> ()
    } else {
    }
    %barrier3A = arith.constant 0 : index
    tpu.barrier barrier_id(%barrier3A)
    %scan3A = arith.constant 0 : i32
    %scan3A_16 = arith.constant 39 : i32
    %scan3A_17 = arith.addi %scan3A, %scan3A_16 : i32
    %scan3A_18 = arith.constant 1 : i32
    scf.for %scan3A_28 = %scan3A to %scan3A_17 step %scan3A_18  : i32 {
      %mul3A_29 = arith.constant 2 : i32
      %mul3A_30 = arith.muli %mul3A_29, %scan3A_28 : i32
      %add3A_31 = arith.constant 1 : i32
      %add3A_32 = arith.addi %mul3A_30, %add3A_31 : i32
      "tpu.region"() ({
        %run_scoped3A_65 = tpu.sem_alloc : memref<!tpu.dma_semaphore, #tpu.memory_space<semaphore_mem>>
        %dma_start3A_66 = arith.constant 0 : i32
        %dma_start3A_67 = arith.constant 0 : i32
        %dma_start3A_68 = tpu.memref_slice %arg2[%add3A, %add3A_32, %dma_start3A_66, %dma_start3A_67] : memref<32x79x2x128xi32, #tpu.memory_space<hbm>> -> memref<1x1x2x128xi32, #tpu.memory_space<hbm>>
        %dma_start3A_69 = tpu.memref_squeeze %dma_start3A_68 : memref<1x1x2x128xi32, #tpu.memory_space<hbm>> -> memref<2x128xi32, #tpu.memory_space<hbm>>
        %dma_start3A_70 = arith.constant 0 : i32
        %dma_start3A_71 = arith.constant 0 : i32
        %dma_start3A_72 = tpu.memref_slice %arg2[%add3A, %add3A_32, %dma_start3A_70, %dma_start3A_71] : memref<32x79x2x128xi32, #tpu.memory_space<hbm>> -> memref<1x1x2x128xi32, #tpu.memory_space<hbm>>
        %dma_start3A_73 = tpu.memref_squeeze %dma_start3A_72 : memref<1x1x2x128xi32, #tpu.memory_space<hbm>> -> memref<2x128xi32, #tpu.memory_space<hbm>>
        tpu.enqueue_dma source(%dma_start3A_73 : memref<2x128xi32, #tpu.memory_space<hbm>>) target(%arg7 : memref<2x128xi32, #tpu.memory_space<vmem>>) target_semaphore(%run_scoped3A_65 : memref<!tpu.dma_semaphore, #tpu.memory_space<semaphore_mem>>)
        %dma_wait3A_74 = arith.constant 0 : i32
        %dma_wait3A_75 = arith.constant 0 : i32
        %dma_wait3A_76 = tpu.memref_slice %arg2[%add3A, %add3A_32, %dma_wait3A_74, %dma_wait3A_75] : memref<32x79x2x128xi32, #tpu.memory_space<hbm>> -> memref<1x1x2x128xi32, #tpu.memory_space<hbm>>
        %dma_wait3A_77 = tpu.memref_squeeze %dma_wait3A_76 : memref<1x1x2x128xi32, #tpu.memory_space<hbm>> -> memref<2x128xi32, #tpu.memory_space<hbm>>
        %dma_wait3A_78 = arith.constant 0 : i32
        %dma_wait3A_79 = arith.constant 0 : i32
        %dma_wait3A_80 = tpu.memref_slice %arg2[%add3A, %add3A_32, %dma_wait3A_78, %dma_wait3A_79] : memref<32x79x2x128xi32, #tpu.memory_space<hbm>> -> memref<1x1x2x128xi32, #tpu.memory_space<hbm>>
        %dma_wait3A_81 = tpu.memref_squeeze %dma_wait3A_80 : memref<1x1x2x128xi32, #tpu.memory_space<hbm>> -> memref<2x128xi32, #tpu.memory_space<hbm>>
        tpu.wait_dma2 semaphore(%run_scoped3A_65 : memref<!tpu.dma_semaphore, #tpu.memory_space<semaphore_mem>>) src(%dma_wait3A_81 : memref<2x128xi32, #tpu.memory_space<hbm>>) dst(%arg7 : memref<2x128xi32, #tpu.memory_space<vmem>>)
        tpu.yield
      }) : () -> ()
      %dma_start3A_33 = arith.constant 0 : i32
      %dma_start3A_34 = arith.constant 0 : i32
      %dma_start3A_35 = tpu.memref_slice %arg7[%dma_start3A_33, %dma_start3A_34] : memref<2x128xi32, #tpu.memory_space<vmem>> -> memref<1x128xi32, #tpu.memory_space<vmem>>
      %dma_start3A_36 = tpu.memref_squeeze %dma_start3A_35 : memref<1x128xi32, #tpu.memory_space<vmem>> -> memref<128xi32, #tpu.memory_space<vmem>>
      %dma_start3A_37 = arith.constant 0 : i32
      %dma_start3A_38 = arith.constant 0 : i32
      %dma_start3A_39 = tpu.memref_slice %arg3[%dma_start3A_37, %dma_start3A_38] : memref<10000x128xf32, #tpu.memory_space<hbm>> -> memref<10000x128xf32, #tpu.memory_space<hbm>>
      tpu.enqueue_indirect_dma source(%dma_start3A_39 : memref<10000x128xf32, #tpu.memory_space<hbm>>) target(%arg9 : memref<128x128xf32, #tpu.memory_space<vmem>>) offsets(%dma_start3A_36 : memref<128xi32, #tpu.memory_space<vmem>>) semaphore(%arg12 : memref<!tpu.dma_semaphore, #tpu.memory_space<semaphore_mem>>)
      %dma_wait3A_40 = arith.constant 0 : i32
      %dma_wait3A_41 = arith.constant 0 : i32
      %dma_wait3A_42 = tpu.memref_slice %arg6[%dma_wait3A_40, %dma_wait3A_41] : memref<2x128xi32, #tpu.memory_space<vmem>> -> memref<1x128xi32, #tpu.memory_space<vmem>>
      %dma_wait3A_43 = tpu.memref_squeeze %dma_wait3A_42 : memref<1x128xi32, #tpu.memory_space<vmem>> -> memref<128xi32, #tpu.memory_space<vmem>>
      %dma_wait3A_44 = arith.constant 0 : i32
      %dma_wait3A_45 = arith.constant 0 : i32
      %dma_wait3A_46 = tpu.memref_slice %arg3[%dma_wait3A_44, %dma_wait3A_45] : memref<10000x128xf32, #tpu.memory_space<hbm>> -> memref<10000x128xf32, #tpu.memory_space<hbm>>
      tpu.wait_indirect_dma semaphore(%arg11 : memref<!tpu.dma_semaphore, #tpu.memory_space<semaphore_mem>>) src(%dma_wait3A_46 : memref<10000x128xf32, #tpu.memory_space<hbm>>) dst(%arg8 : memref<128x128xf32, #tpu.memory_space<vmem>>)
      %run_scoped3A_47 = arith.constant 1 : i32
      "tpu.region"() ({
        %run_scoped3A_65 = tpu.sem_alloc : memref<!tpu.dma_semaphore, #tpu.memory_space<semaphore_mem>>
        %dma_start3A_66 = arith.constant 0 : i32
        %dma_start3A_67 = tpu.memref_slice %arg6[%run_scoped3A_47, %dma_start3A_66] : memref<2x128xi32, #tpu.memory_space<vmem>> -> memref<1x128xi32, #tpu.memory_space<vmem>>
        %dma_start3A_68 = tpu.memref_squeeze %dma_start3A_67 : memref<1x128xi32, #tpu.memory_space<vmem>> -> memref<128xi32, #tpu.memory_space<vmem>>
        %dma_start3A_69 = arith.constant 0 : i32
        %dma_start3A_70 = arith.constant 0 : i32
        %dma_start3A_71 = tpu.memref_slice %arg10[%dma_start3A_69, %dma_start3A_70] : memref<10240x128xf32, #tpu.memory_space<vmem_shared>> -> memref<10240x128xf32, #tpu.memory_space<vmem_shared>>
        tpu.enqueue_indirect_dma source(%arg8 : memref<128x128xf32, #tpu.memory_space<vmem>>) target(%dma_start3A_71 : memref<10240x128xf32, #tpu.memory_space<vmem_shared>>) offsets(%dma_start3A_68 : memref<128xi32, #tpu.memory_space<vmem>>) semaphore(%run_scoped3A_65 : memref<!tpu.dma_semaphore, #tpu.memory_space<semaphore_mem>>) {add = true}
        %dma_wait3A_72 = arith.constant 0 : i32
        %dma_wait3A_73 = tpu.memref_slice %arg6[%run_scoped3A_47, %dma_wait3A_72] : memref<2x128xi32, #tpu.memory_space<vmem>> -> memref<1x128xi32, #tpu.memory_space<vmem>>
        %dma_wait3A_74 = tpu.memref_squeeze %dma_wait3A_73 : memref<1x128xi32, #tpu.memory_space<vmem>> -> memref<128xi32, #tpu.memory_space<vmem>>
        %dma_wait3A_75 = arith.constant 0 : i32
        %dma_wait3A_76 = arith.constant 0 : i32
        %dma_wait3A_77 = tpu.memref_slice %arg10[%dma_wait3A_75, %dma_wait3A_76] : memref<10240x128xf32, #tpu.memory_space<vmem_shared>> -> memref<10240x128xf32, #tpu.memory_space<vmem_shared>>
        tpu.wait_indirect_dma semaphore(%run_scoped3A_65 : memref<!tpu.dma_semaphore, #tpu.memory_space<semaphore_mem>>) src(%arg8 : memref<128x128xf32, #tpu.memory_space<vmem>>) dst(%dma_wait3A_77 : memref<10240x128xf32, #tpu.memory_space<vmem_shared>>)
        tpu.yield
      }) : () -> ()
      %add3A_48 = arith.constant 2 : i32
      %add3A_49 = arith.addi %mul3A_30, %add3A_48 : i32
      "tpu.region"() ({
        %run_scoped3A_65 = tpu.sem_alloc : memref<!tpu.dma_semaphore, #tpu.memory_space<semaphore_mem>>
        %dma_start3A_66 = arith.constant 0 : i32
        %dma_start3A_67 = arith.constant 0 : i32
        %dma_start3A_68 = tpu.memref_slice %arg2[%add3A, %add3A_49, %dma_start3A_66, %dma_start3A_67] : memref<32x79x2x128xi32, #tpu.memory_space<hbm>> -> memref<1x1x2x128xi32, #tpu.memory_space<hbm>>
        %dma_start3A_69 = tpu.memref_squeeze %dma_start3A_68 : memref<1x1x2x128xi32, #tpu.memory_space<hbm>> -> memref<2x128xi32, #tpu.memory_space<hbm>>
        %dma_start3A_70 = arith.constant 0 : i32
        %dma_start3A_71 = arith.constant 0 : i32
        %dma_start3A_72 = tpu.memref_slice %arg2[%add3A, %add3A_49, %dma_start3A_70, %dma_start3A_71] : memref<32x79x2x128xi32, #tpu.memory_space<hbm>> -> memref<1x1x2x128xi32, #tpu.memory_space<hbm>>
        %dma_start3A_73 = tpu.memref_squeeze %dma_start3A_72 : memref<1x1x2x128xi32, #tpu.memory_space<hbm>> -> memref<2x128xi32, #tpu.memory_space<hbm>>
        tpu.enqueue_dma source(%dma_start3A_73 : memref<2x128xi32, #tpu.memory_space<hbm>>) target(%arg6 : memref<2x128xi32, #tpu.memory_space<vmem>>) target_semaphore(%run_scoped3A_65 : memref<!tpu.dma_semaphore, #tpu.memory_space<semaphore_mem>>)
        %dma_wait3A_74 = arith.constant 0 : i32
        %dma_wait3A_75 = arith.constant 0 : i32
        %dma_wait3A_76 = tpu.memref_slice %arg2[%add3A, %add3A_49, %dma_wait3A_74, %dma_wait3A_75] : memref<32x79x2x128xi32, #tpu.memory_space<hbm>> -> memref<1x1x2x128xi32, #tpu.memory_space<hbm>>
        %dma_wait3A_77 = tpu.memref_squeeze %dma_wait3A_76 : memref<1x1x2x128xi32, #tpu.memory_space<hbm>> -> memref<2x128xi32, #tpu.memory_space<hbm>>
        %dma_wait3A_78 = arith.constant 0 : i32
        %dma_wait3A_79 = arith.constant 0 : i32
        %dma_wait3A_80 = tpu.memref_slice %arg2[%add3A, %add3A_49, %dma_wait3A_78, %dma_wait3A_79] : memref<32x79x2x128xi32, #tpu.memory_space<hbm>> -> memref<1x1x2x128xi32, #tpu.memory_space<hbm>>
        %dma_wait3A_81 = tpu.memref_squeeze %dma_wait3A_80 : memref<1x1x2x128xi32, #tpu.memory_space<hbm>> -> memref<2x128xi32, #tpu.memory_space<hbm>>
        tpu.wait_dma2 semaphore(%run_scoped3A_65 : memref<!tpu.dma_semaphore, #tpu.memory_space<semaphore_mem>>) src(%dma_wait3A_81 : memref<2x128xi32, #tpu.memory_space<hbm>>) dst(%arg6 : memref<2x128xi32, #tpu.memory_space<vmem>>)
        tpu.yield
      }) : () -> ()
      %dma_start3A_50 = arith.constant 0 : i32
      %dma_start3A_51 = arith.constant 0 : i32
      %dma_start3A_52 = tpu.memref_slice %arg6[%dma_start3A_50, %dma_start3A_51] : memref<2x128xi32, #tpu.memory_space<vmem>> -> memref<1x128xi32, #tpu.memory_space<vmem>>
      %dma_start3A_53 = tpu.memref_squeeze %dma_start3A_52 : memref<1x128xi32, #tpu.memory_space<vmem>> -> memref<128xi32, #tpu.memory_space<vmem>>
      %dma_start3A_54 = arith.constant 0 : i32
      %dma_start3A_55 = arith.constant 0 : i32
      %dma_start3A_56 = tpu.memref_slice %arg3[%dma_start3A_54, %dma_start3A_55] : memref<10000x128xf32, #tpu.memory_space<hbm>> -> memref<10000x128xf32, #tpu.memory_space<hbm>>
      tpu.enqueue_indirect_dma source(%dma_start3A_56 : memref<10000x128xf32, #tpu.memory_space<hbm>>) target(%arg8 : memref<128x128xf32, #tpu.memory_space<vmem>>) offsets(%dma_start3A_53 : memref<128xi32, #tpu.memory_space<vmem>>) semaphore(%arg11 : memref<!tpu.dma_semaphore, #tpu.memory_space<semaphore_mem>>)
      %dma_wait3A_57 = arith.constant 0 : i32
      %dma_wait3A_58 = arith.constant 0 : i32
      %dma_wait3A_59 = tpu.memref_slice %arg7[%dma_wait3A_57, %dma_wait3A_58] : memref<2x128xi32, #tpu.memory_space<vmem>> -> memref<1x128xi32, #tpu.memory_space<vmem>>
      %dma_wait3A_60 = tpu.memref_squeeze %dma_wait3A_59 : memref<1x128xi32, #tpu.memory_space<vmem>> -> memref<128xi32, #tpu.memory_space<vmem>>
      %dma_wait3A_61 = arith.constant 0 : i32
      %dma_wait3A_62 = arith.constant 0 : i32
      %dma_wait3A_63 = tpu.memref_slice %arg3[%dma_wait3A_61, %dma_wait3A_62] : memref<10000x128xf32, #tpu.memory_space<hbm>> -> memref<10000x128xf32, #tpu.memory_space<hbm>>
      tpu.wait_indirect_dma semaphore(%arg12 : memref<!tpu.dma_semaphore, #tpu.memory_space<semaphore_mem>>) src(%dma_wait3A_63 : memref<10000x128xf32, #tpu.memory_space<hbm>>) dst(%arg9 : memref<128x128xf32, #tpu.memory_space<vmem>>)
      %run_scoped3A_64 = arith.constant 1 : i32
      "tpu.region"() ({
        %run_scoped3A_65 = tpu.sem_alloc : memref<!tpu.dma_semaphore, #tpu.memory_space<semaphore_mem>>
        %dma_start3A_66 = arith.constant 0 : i32
        %dma_start3A_67 = tpu.memref_slice %arg7[%run_scoped3A_64, %dma_start3A_66] : memref<2x128xi32, #tpu.memory_space<vmem>> -> memref<1x128xi32, #tpu.memory_space<vmem>>
        %dma_start3A_68 = tpu.memref_squeeze %dma_start3A_67 : memref<1x128xi32, #tpu.memory_space<vmem>> -> memref<128xi32, #tpu.memory_space<vmem>>
        %dma_start3A_69 = arith.constant 0 : i32
        %dma_start3A_70 = arith.constant 0 : i32
        %dma_start3A_71 = tpu.memref_slice %arg10[%dma_start3A_69, %dma_start3A_70] : memref<10240x128xf32, #tpu.memory_space<vmem_shared>> -> memref<10240x128xf32, #tpu.memory_space<vmem_shared>>
        tpu.enqueue_indirect_dma source(%arg9 : memref<128x128xf32, #tpu.memory_space<vmem>>) target(%dma_start3A_71 : memref<10240x128xf32, #tpu.memory_space<vmem_shared>>) offsets(%dma_start3A_68 : memref<128xi32, #tpu.memory_space<vmem>>) semaphore(%run_scoped3A_65 : memref<!tpu.dma_semaphore, #tpu.memory_space<semaphore_mem>>) {add = true}
        %dma_wait3A_72 = arith.constant 0 : i32
        %dma_wait3A_73 = tpu.memref_slice %arg7[%run_scoped3A_64, %dma_wait3A_72] : memref<2x128xi32, #tpu.memory_space<vmem>> -> memref<1x128xi32, #tpu.memory_space<vmem>>
        %dma_wait3A_74 = tpu.memref_squeeze %dma_wait3A_73 : memref<1x128xi32, #tpu.memory_space<vmem>> -> memref<128xi32, #tpu.memory_space<vmem>>
        %dma_wait3A_75 = arith.constant 0 : i32
        %dma_wait3A_76 = arith.constant 0 : i32
        %dma_wait3A_77 = tpu.memref_slice %arg10[%dma_wait3A_75, %dma_wait3A_76] : memref<10240x128xf32, #tpu.memory_space<vmem_shared>> -> memref<10240x128xf32, #tpu.memory_space<vmem_shared>>
        tpu.wait_indirect_dma semaphore(%run_scoped3A_65 : memref<!tpu.dma_semaphore, #tpu.memory_space<semaphore_mem>>) src(%arg9 : memref<128x128xf32, #tpu.memory_space<vmem>>) dst(%dma_wait3A_77 : memref<10240x128xf32, #tpu.memory_space<vmem_shared>>)
        tpu.yield
      }) : () -> ()
    }
    %scan3A_19 = arith.constant 39 : i32
    %dma_wait3A = arith.constant 0 : i32
    %dma_wait3A_20 = arith.constant 0 : i32
    %dma_wait3A_21 = tpu.memref_slice %arg6[%dma_wait3A, %dma_wait3A_20] : memref<2x128xi32, #tpu.memory_space<vmem>> -> memref<1x128xi32, #tpu.memory_space<vmem>>
    %dma_wait3A_22 = tpu.memref_squeeze %dma_wait3A_21 : memref<1x128xi32, #tpu.memory_space<vmem>> -> memref<128xi32, #tpu.memory_space<vmem>>
    %dma_wait3A_23 = arith.constant 0 : i32
    %dma_wait3A_24 = arith.constant 0 : i32
    %dma_wait3A_25 = tpu.memref_slice %arg3[%dma_wait3A_23, %dma_wait3A_24] : memref<10000x128xf32, #tpu.memory_space<hbm>> -> memref<10000x128xf32, #tpu.memory_space<hbm>>
    tpu.wait_indirect_dma semaphore(%arg11 : memref<!tpu.dma_semaphore, #tpu.memory_space<semaphore_mem>>) src(%dma_wait3A_25 : memref<10000x128xf32, #tpu.memory_space<hbm>>) dst(%arg8 : memref<128x128xf32, #tpu.memory_space<vmem>>)
    %run_scoped3A_26 = arith.constant 1 : i32
    "tpu.region"() ({
      %run_scoped3A_28 = tpu.sem_alloc : memref<!tpu.dma_semaphore, #tpu.memory_space<semaphore_mem>>
      %dma_start3A_29 = arith.constant 0 : i32
      %dma_start3A_30 = tpu.memref_slice %arg6[%run_scoped3A_26, %dma_start3A_29] : memref<2x128xi32, #tpu.memory_space<vmem>> -> memref<1x128xi32, #tpu.memory_space<vmem>>
      %dma_start3A_31 = tpu.memref_squeeze %dma_start3A_30 : memref<1x128xi32, #tpu.memory_space<vmem>> -> memref<128xi32, #tpu.memory_space<vmem>>
      %dma_start3A_32 = arith.constant 0 : i32
      %dma_start3A_33 = arith.constant 0 : i32
      %dma_start3A_34 = tpu.memref_slice %arg10[%dma_start3A_32, %dma_start3A_33] : memref<10240x128xf32, #tpu.memory_space<vmem_shared>> -> memref<10240x128xf32, #tpu.memory_space<vmem_shared>>
      tpu.enqueue_indirect_dma source(%arg8 : memref<128x128xf32, #tpu.memory_space<vmem>>) target(%dma_start3A_34 : memref<10240x128xf32, #tpu.memory_space<vmem_shared>>) offsets(%dma_start3A_31 : memref<128xi32, #tpu.memory_space<vmem>>) semaphore(%run_scoped3A_28 : memref<!tpu.dma_semaphore, #tpu.memory_space<semaphore_mem>>) {add = true}
      %dma_wait3A_35 = arith.constant 0 : i32
      %dma_wait3A_36 = tpu.memref_slice %arg6[%run_scoped3A_26, %dma_wait3A_35] : memref<2x128xi32, #tpu.memory_space<vmem>> -> memref<1x128xi32, #tpu.memory_space<vmem>>
      %dma_wait3A_37 = tpu.memref_squeeze %dma_wait3A_36 : memref<1x128xi32, #tpu.memory_space<vmem>> -> memref<128xi32, #tpu.memory_space<vmem>>
      %dma_wait3A_38 = arith.constant 0 : i32
      %dma_wait3A_39 = arith.constant 0 : i32
      %dma_wait3A_40 = tpu.memref_slice %arg10[%dma_wait3A_38, %dma_wait3A_39] : memref<10240x128xf32, #tpu.memory_space<vmem_shared>> -> memref<10240x128xf32, #tpu.memory_space<vmem_shared>>
      tpu.wait_indirect_dma semaphore(%run_scoped3A_28 : memref<!tpu.dma_semaphore, #tpu.memory_space<semaphore_mem>>) src(%arg8 : memref<128x128xf32, #tpu.memory_space<vmem>>) dst(%dma_wait3A_40 : memref<10240x128xf32, #tpu.memory_space<vmem_shared>>)
      tpu.yield
    }) : () -> ()
    %barrier3A_27 = arith.constant 0 : index
    tpu.barrier barrier_id(%barrier3A_27)
    "tpu.region"() ({
      %run_scoped3A_28 = tpu.sem_alloc : memref<!tpu.dma_semaphore, #tpu.memory_space<semaphore_mem>>
      %dma_start3A_29 = arith.constant 0 : i32
      %dma_start3A_30 = tpu.memref_slice %arg5[%arg0, %mul3A_2, %dma_start3A_29] : memref<2x10240x128xf32, #tpu.memory_space<hbm>> -> memref<1x640x128xf32, #tpu.memory_space<hbm>>
      %dma_start3A_31 = tpu.memref_squeeze %dma_start3A_30 : memref<1x640x128xf32, #tpu.memory_space<hbm>> -> memref<640x128xf32, #tpu.memory_space<hbm>>
      %dma_start3A_32 = arith.constant 0 : i32
      %dma_start3A_33 = tpu.memref_slice %arg10[%mul3A_2, %dma_start3A_32] : memref<10240x128xf32, #tpu.memory_space<vmem_shared>> -> memref<640x128xf32, #tpu.memory_space<vmem_shared>>
      tpu.enqueue_dma source(%dma_start3A_33 : memref<640x128xf32, #tpu.memory_space<vmem_shared>>) target(%dma_start3A_31 : memref<640x128xf32, #tpu.memory_space<hbm>>) target_semaphore(%run_scoped3A_28 : memref<!tpu.dma_semaphore, #tpu.memory_space<semaphore_mem>>)
      %dma_wait3A_34 = arith.constant 0 : i32
      %dma_wait3A_35 = tpu.memref_slice %arg5[%arg0, %mul3A_2, %dma_wait3A_34] : memref<2x10240x128xf32, #tpu.memory_space<hbm>> -> memref<1x640x128xf32, #tpu.memory_space<hbm>>
      %dma_wait3A_36 = tpu.memref_squeeze %dma_wait3A_35 : memref<1x640x128xf32, #tpu.memory_space<hbm>> -> memref<640x128xf32, #tpu.memory_space<hbm>>
      %dma_wait3A_37 = arith.constant 0 : i32
      %dma_wait3A_38 = tpu.memref_slice %arg10[%mul3A_2, %dma_wait3A_37] : memref<10240x128xf32, #tpu.memory_space<vmem_shared>> -> memref<640x128xf32, #tpu.memory_space<vmem_shared>>
      tpu.wait_dma2 semaphore(%run_scoped3A_28 : memref<!tpu.dma_semaphore, #tpu.memory_space<semaphore_mem>>) src(%dma_wait3A_38 : memref<640x128xf32, #tpu.memory_space<vmem_shared>>) dst(%dma_wait3A_36 : memref<640x128xf32, #tpu.memory_space<hbm>>)
      tpu.yield
    }) : () -> ()
    return
  }
}

#map = affine_map<(d0, d1) -> (0, 0, 0)>
#map1 = affine_map<(d0, d1) -> (0)>
#map2 = affine_map<(d0, d1) -> (0, 0)>
module attributes {stable_mosaic.version = 14 : i64} {
  func.func @_sc_degree(%arg0: i32, %arg1: i32, %arg2: memref<32x79x128xi32, #tpu.memory_space<hbm>>, %arg3: memref<640xf32, #tpu.memory_space<hbm>>, %arg4: memref<2x10240xf32, #tpu.memory_space<hbm>>, %arg5: memref<79x128xi32, #tpu.memory_space<vmem>>, %arg6: memref<128xf32, #tpu.memory_space<vmem>>, %arg7: memref<10240xf32, #tpu.memory_space<vmem_shared>>) attributes {dimension_semantics = [#tpu.dimension_semantics<core_parallel>, #tpu.dimension_semantics<subcore_parallel>], iteration_bounds = array<i64: 2, 16>, scalar_prefetch = 0 : i64, scratch_operands = 3 : i64, tpu.core_type = #tpu.core_type<sc_vector_subcore>, window_params = [{transform_indices = #map}, {transform_indices = #map1}, {transform_indices = #map2}]} {
    %mul3A = arith.constant 16 : i32
    %mul3A_0 = arith.muli %arg0, %mul3A : i32
    %add3A = arith.addi %mul3A_0, %arg1 : i32
    %broadcast_in_dim3A = arith.constant 1.000000e+00 : f32
    %broadcast_in_dim3A_1 = vector.broadcast %broadcast_in_dim3A : f32 to vector<16xf32>
    %swap3A = arith.constant 0 : index
    %swap3A_2 = tpu.vector_load %arg6[%swap3A] {strides = array<i32>} : memref<128xf32, #tpu.memory_space<vmem>>, vector<16xf32>,
    %swap3A_3 = vector.shape_cast %swap3A_2 : vector<16xf32> to vector<16xf32>
    %swap3A_4 = vector.shape_cast %broadcast_in_dim3A_1 : vector<16xf32> to vector<16xf32>
    tpu.vector_store %arg6[%swap3A], %swap3A_4 {strides = array<i32>} : memref<128xf32, #tpu.memory_space<vmem>>, vector<16xf32>,
    %broadcast_in_dim3A_5 = arith.constant 1.000000e+00 : f32
    %broadcast_in_dim3A_6 = vector.broadcast %broadcast_in_dim3A_5 : f32 to vector<16xf32>
    %swap3A_7 = arith.constant 16 : index
    %swap3A_8 = tpu.vector_load %arg6[%swap3A_7] {strides = array<i32>} : memref<128xf32, #tpu.memory_space<vmem>>, vector<16xf32>,
    %swap3A_9 = vector.shape_cast %swap3A_8 : vector<16xf32> to vector<16xf32>
    %swap3A_10 = vector.shape_cast %broadcast_in_dim3A_6 : vector<16xf32> to vector<16xf32>
    tpu.vector_store %arg6[%swap3A_7], %swap3A_10 {strides = array<i32>} : memref<128xf32, #tpu.memory_space<vmem>>, vector<16xf32>,
    %broadcast_in_dim3A_11 = arith.constant 1.000000e+00 : f32
    %broadcast_in_dim3A_12 = vector.broadcast %broadcast_in_dim3A_11 : f32 to vector<16xf32>
    %swap3A_13 = arith.constant 32 : index
    %swap3A_14 = tpu.vector_load %arg6[%swap3A_13] {strides = array<i32>} : memref<128xf32, #tpu.memory_space<vmem>>, vector<16xf32>,
    %swap3A_15 = vector.shape_cast %swap3A_14 : vector<16xf32> to vector<16xf32>
    %swap3A_16 = vector.shape_cast %broadcast_in_dim3A_12 : vector<16xf32> to vector<16xf32>
    tpu.vector_store %arg6[%swap3A_13], %swap3A_16 {strides = array<i32>} : memref<128xf32, #tpu.memory_space<vmem>>, vector<16xf32>,
    %broadcast_in_dim3A_17 = arith.constant 1.000000e+00 : f32
    %broadcast_in_dim3A_18 = vector.broadcast %broadcast_in_dim3A_17 : f32 to vector<16xf32>
    %swap3A_19 = arith.constant 48 : index
    %swap3A_20 = tpu.vector_load %arg6[%swap3A_19] {strides = array<i32>} : memref<128xf32, #tpu.memory_space<vmem>>, vector<16xf32>,
    %swap3A_21 = vector.shape_cast %swap3A_20 : vector<16xf32> to vector<16xf32>
    %swap3A_22 = vector.shape_cast %broadcast_in_dim3A_18 : vector<16xf32> to vector<16xf32>
    tpu.vector_store %arg6[%swap3A_19], %swap3A_22 {strides = array<i32>} : memref<128xf32, #tpu.memory_space<vmem>>, vector<16xf32>,
    %broadcast_in_dim3A_23 = arith.constant 1.000000e+00 : f32
    %broadcast_in_dim3A_24 = vector.broadcast %broadcast_in_dim3A_23 : f32 to vector<16xf32>
    %swap3A_25 = arith.constant 64 : index
    %swap3A_26 = tpu.vector_load %arg6[%swap3A_25] {strides = array<i32>} : memref<128xf32, #tpu.memory_space<vmem>>, vector<16xf32>,
    %swap3A_27 = vector.shape_cast %swap3A_26 : vector<16xf32> to vector<16xf32>
    %swap3A_28 = vector.shape_cast %broadcast_in_dim3A_24 : vector<16xf32> to vector<16xf32>
    tpu.vector_store %arg6[%swap3A_25], %swap3A_28 {strides = array<i32>} : memref<128xf32, #tpu.memory_space<vmem>>, vector<16xf32>,
    %broadcast_in_dim3A_29 = arith.constant 1.000000e+00 : f32
    %broadcast_in_dim3A_30 = vector.broadcast %broadcast_in_dim3A_29 : f32 to vector<16xf32>
    %swap3A_31 = arith.constant 80 : index
    %swap3A_32 = tpu.vector_load %arg6[%swap3A_31] {strides = array<i32>} : memref<128xf32, #tpu.memory_space<vmem>>, vector<16xf32>,
    %swap3A_33 = vector.shape_cast %swap3A_32 : vector<16xf32> to vector<16xf32>
    %swap3A_34 = vector.shape_cast %broadcast_in_dim3A_30 : vector<16xf32> to vector<16xf32>
    tpu.vector_store %arg6[%swap3A_31], %swap3A_34 {strides = array<i32>} : memref<128xf32, #tpu.memory_space<vmem>>, vector<16xf32>,
    %broadcast_in_dim3A_35 = arith.constant 1.000000e+00 : f32
    %broadcast_in_dim3A_36 = vector.broadcast %broadcast_in_dim3A_35 : f32 to vector<16xf32>
    %swap3A_37 = arith.constant 96 : index
    %swap3A_38 = tpu.vector_load %arg6[%swap3A_37] {strides = array<i32>} : memref<128xf32, #tpu.memory_space<vmem>>, vector<16xf32>,
    %swap3A_39 = vector.shape_cast %swap3A_38 : vector<16xf32> to vector<16xf32>
    %swap3A_40 = vector.shape_cast %broadcast_in_dim3A_36 : vector<16xf32> to vector<16xf32>
    tpu.vector_store %arg6[%swap3A_37], %swap3A_40 {strides = array<i32>} : memref<128xf32, #tpu.memory_space<vmem>>, vector<16xf32>,
    %broadcast_in_dim3A_41 = arith.constant 1.000000e+00 : f32
    %broadcast_in_dim3A_42 = vector.broadcast %broadcast_in_dim3A_41 : f32 to vector<16xf32>
    %swap3A_43 = arith.constant 112 : index
    %swap3A_44 = tpu.vector_load %arg6[%swap3A_43] {strides = array<i32>} : memref<128xf32, #tpu.memory_space<vmem>>, vector<16xf32>,
    %swap3A_45 = vector.shape_cast %swap3A_44 : vector<16xf32> to vector<16xf32>
    %swap3A_46 = vector.shape_cast %broadcast_in_dim3A_42 : vector<16xf32> to vector<16xf32>
    tpu.vector_store %arg6[%swap3A_43], %swap3A_46 {strides = array<i32>} : memref<128xf32, #tpu.memory_space<vmem>>, vector<16xf32>,
    %mul3A_47 = arith.constant 640 : i32
    %mul3A_48 = arith.muli %arg1, %mul3A_47 : i32
    "tpu.region"() ({
      %run_scoped3A = tpu.sem_alloc : memref<!tpu.dma_semaphore, #tpu.memory_space<semaphore_mem>>
      %dma_start3A = tpu.memref_slice %arg7[%mul3A_48] : memref<10240xf32, #tpu.memory_space<vmem_shared>> -> memref<640xf32, #tpu.memory_space<vmem_shared>>
      tpu.enqueue_dma source(%arg3 : memref<640xf32, #tpu.memory_space<hbm>>) target(%dma_start3A : memref<640xf32, #tpu.memory_space<vmem_shared>>) target_semaphore(%run_scoped3A : memref<!tpu.dma_semaphore, #tpu.memory_space<semaphore_mem>>)
      %dma_wait3A = tpu.memref_slice %arg7[%mul3A_48] : memref<10240xf32, #tpu.memory_space<vmem_shared>> -> memref<640xf32, #tpu.memory_space<vmem_shared>>
      tpu.wait_dma2 semaphore(%run_scoped3A : memref<!tpu.dma_semaphore, #tpu.memory_space<semaphore_mem>>) src(%arg3 : memref<640xf32, #tpu.memory_space<hbm>>) dst(%dma_wait3A : memref<640xf32, #tpu.memory_space<vmem_shared>>)
      tpu.yield
    }) : () -> ()
    "tpu.region"() ({
      %run_scoped3A = tpu.sem_alloc : memref<!tpu.dma_semaphore, #tpu.memory_space<semaphore_mem>>
      %dma_start3A = arith.constant 0 : i32
      %dma_start3A_54 = arith.constant 0 : i32
      %dma_start3A_55 = tpu.memref_slice %arg2[%add3A, %dma_start3A, %dma_start3A_54] : memref<32x79x128xi32, #tpu.memory_space<hbm>> -> memref<1x79x128xi32, #tpu.memory_space<hbm>>
      %dma_start3A_56 = tpu.memref_squeeze %dma_start3A_55 : memref<1x79x128xi32, #tpu.memory_space<hbm>> -> memref<79x128xi32, #tpu.memory_space<hbm>>
      %dma_start3A_57 = arith.constant 0 : i32
      %dma_start3A_58 = arith.constant 0 : i32
      %dma_start3A_59 = tpu.memref_slice %arg2[%add3A, %dma_start3A_57, %dma_start3A_58] : memref<32x79x128xi32, #tpu.memory_space<hbm>> -> memref<1x79x128xi32, #tpu.memory_space<hbm>>
      %dma_start3A_60 = tpu.memref_squeeze %dma_start3A_59 : memref<1x79x128xi32, #tpu.memory_space<hbm>> -> memref<79x128xi32, #tpu.memory_space<hbm>>
      tpu.enqueue_dma source(%dma_start3A_60 : memref<79x128xi32, #tpu.memory_space<hbm>>) target(%arg5 : memref<79x128xi32, #tpu.memory_space<vmem>>) target_semaphore(%run_scoped3A : memref<!tpu.dma_semaphore, #tpu.memory_space<semaphore_mem>>)
      %dma_wait3A = arith.constant 0 : i32
      %dma_wait3A_61 = arith.constant 0 : i32
      %dma_wait3A_62 = tpu.memref_slice %arg2[%add3A, %dma_wait3A, %dma_wait3A_61] : memref<32x79x128xi32, #tpu.memory_space<hbm>> -> memref<1x79x128xi32, #tpu.memory_space<hbm>>
      %dma_wait3A_63 = tpu.memref_squeeze %dma_wait3A_62 : memref<1x79x128xi32, #tpu.memory_space<hbm>> -> memref<79x128xi32, #tpu.memory_space<hbm>>
      %dma_wait3A_64 = arith.constant 0 : i32
      %dma_wait3A_65 = arith.constant 0 : i32
      %dma_wait3A_66 = tpu.memref_slice %arg2[%add3A, %dma_wait3A_64, %dma_wait3A_65] : memref<32x79x128xi32, #tpu.memory_space<hbm>> -> memref<1x79x128xi32, #tpu.memory_space<hbm>>
      %dma_wait3A_67 = tpu.memref_squeeze %dma_wait3A_66 : memref<1x79x128xi32, #tpu.memory_space<hbm>> -> memref<79x128xi32, #tpu.memory_space<hbm>>
      tpu.wait_dma2 semaphore(%run_scoped3A : memref<!tpu.dma_semaphore, #tpu.memory_space<semaphore_mem>>) src(%dma_wait3A_67 : memref<79x128xi32, #tpu.memory_space<hbm>>) dst(%arg5 : memref<79x128xi32, #tpu.memory_space<vmem>>)
      tpu.yield
    }) : () -> ()
    %barrier3A = arith.constant 0 : index
    tpu.barrier barrier_id(%barrier3A)
    %scan3A = arith.constant 0 : i32
    %scan3A_49 = arith.constant 79 : i32
    %scan3A_50 = arith.addi %scan3A, %scan3A_49 : i32
    %scan3A_51 = arith.constant 1 : i32
    scf.for %scan3A_54 = %scan3A to %scan3A_50 step %scan3A_51  : i32 {
      "tpu.region"() ({
        %run_scoped3A = tpu.sem_alloc : memref<!tpu.dma_semaphore, #tpu.memory_space<semaphore_mem>>
        %dma_start3A = arith.constant 0 : i32
        %dma_start3A_55 = tpu.memref_slice %arg5[%scan3A_54, %dma_start3A] : memref<79x128xi32, #tpu.memory_space<vmem>> -> memref<1x128xi32, #tpu.memory_space<vmem>>
        %dma_start3A_56 = tpu.memref_squeeze %dma_start3A_55 : memref<1x128xi32, #tpu.memory_space<vmem>> -> memref<128xi32, #tpu.memory_space<vmem>>
        %dma_start3A_57 = arith.constant 0 : i32
        %dma_start3A_58 = tpu.memref_slice %arg7[%dma_start3A_57] : memref<10240xf32, #tpu.memory_space<vmem_shared>> -> memref<10240xf32, #tpu.memory_space<vmem_shared>>
        tpu.enqueue_indirect_dma source(%arg6 : memref<128xf32, #tpu.memory_space<vmem>>) target(%dma_start3A_58 : memref<10240xf32, #tpu.memory_space<vmem_shared>>) offsets(%dma_start3A_56 : memref<128xi32, #tpu.memory_space<vmem>>) semaphore(%run_scoped3A : memref<!tpu.dma_semaphore, #tpu.memory_space<semaphore_mem>>) {add = true}
        %dma_wait3A = arith.constant 0 : i32
        %dma_wait3A_59 = tpu.memref_slice %arg5[%scan3A_54, %dma_wait3A] : memref<79x128xi32, #tpu.memory_space<vmem>> -> memref<1x128xi32, #tpu.memory_space<vmem>>
        %dma_wait3A_60 = tpu.memref_squeeze %dma_wait3A_59 : memref<1x128xi32, #tpu.memory_space<vmem>> -> memref<128xi32, #tpu.memory_space<vmem>>
        %dma_wait3A_61 = arith.constant 0 : i32
        %dma_wait3A_62 = tpu.memref_slice %arg7[%dma_wait3A_61] : memref<10240xf32, #tpu.memory_space<vmem_shared>> -> memref<10240xf32, #tpu.memory_space<vmem_shared>>
        tpu.wait_indirect_dma semaphore(%run_scoped3A : memref<!tpu.dma_semaphore, #tpu.memory_space<semaphore_mem>>) src(%arg6 : memref<128xf32, #tpu.memory_space<vmem>>) dst(%dma_wait3A_62 : memref<10240xf32, #tpu.memory_space<vmem_shared>>)
        tpu.yield
      }) : () -> ()
    }
    %scan3A_52 = arith.constant 79 : i32
    %barrier3A_53 = arith.constant 0 : index
    tpu.barrier barrier_id(%barrier3A_53)
    "tpu.region"() ({
      %run_scoped3A = tpu.sem_alloc : memref<!tpu.dma_semaphore, #tpu.memory_space<semaphore_mem>>
      %dma_start3A = tpu.memref_slice %arg4[%arg0, %mul3A_48] : memref<2x10240xf32, #tpu.memory_space<hbm>> -> memref<1x640xf32, #tpu.memory_space<hbm>>
      %dma_start3A_54 = tpu.memref_squeeze %dma_start3A : memref<1x640xf32, #tpu.memory_space<hbm>> -> memref<640xf32, #tpu.memory_space<hbm>>
      %dma_start3A_55 = tpu.memref_slice %arg7[%mul3A_48] : memref<10240xf32, #tpu.memory_space<vmem_shared>> -> memref<640xf32, #tpu.memory_space<vmem_shared>>
      tpu.enqueue_dma source(%dma_start3A_55 : memref<640xf32, #tpu.memory_space<vmem_shared>>) target(%dma_start3A_54 : memref<640xf32, #tpu.memory_space<hbm>>) target_semaphore(%run_scoped3A : memref<!tpu.dma_semaphore, #tpu.memory_space<semaphore_mem>>)
      %dma_wait3A = tpu.memref_slice %arg4[%arg0, %mul3A_48] : memref<2x10240xf32, #tpu.memory_space<hbm>> -> memref<1x640xf32, #tpu.memory_space<hbm>>
      %dma_wait3A_56 = tpu.memref_squeeze %dma_wait3A : memref<1x640xf32, #tpu.memory_space<hbm>> -> memref<640xf32, #tpu.memory_space<hbm>>
      %dma_wait3A_57 = tpu.memref_slice %arg7[%mul3A_48] : memref<10240xf32, #tpu.memory_space<vmem_shared>> -> memref<640xf32, #tpu.memory_space<vmem_shared>>
      tpu.wait_dma2 semaphore(%run_scoped3A : memref<!tpu.dma_semaphore, #tpu.memory_space<semaphore_mem>>) src(%dma_wait3A_57 : memref<640xf32, #tpu.memory_space<vmem_shared>>) dst(%dma_wait3A_56 : memref<640xf32, #tpu.memory_space<hbm>>)
      tpu.yield
    }) : () -> ()
    return
  }
}

module attributes {stable_mosaic.version = 14 : i64} {
  func.func @_tc_scale_body(%arg0: i32, %arg1: memref<2000x128xf32, #tpu.memory_space<vmem>>, %arg2: memref<2000x2xf32, #tpu.memory_space<vmem>>, %arg3: memref<128x128xf32, #tpu.memory_space<vmem>>, %arg4: memref<2000x128xf32, #tpu.memory_space<vmem>>, %arg5: memref<2000x1xf32, #tpu.memory_space<vmem>>) attributes {dimension_semantics = [#tpu.dimension_semantics<arbitrary>], iteration_bounds = array<i64: 5>, scalar_prefetch = 0 : i64, scratch_operands = 0 : i64, tpu.core_type = #tpu.core_type<tc>, window_params = [{transform_indices = @transform_0, window_bounds = array<i64: 2000, 128>}, {transform_indices = @transform_1, window_bounds = array<i64: 2000, 2>}, {pipeline_mode = #tpu.pipeline_mode<synchronous>, transform_indices = @transform_2, window_bounds = array<i64: 128, 128>}, {transform_indices = @transform_3, window_bounds = array<i64: 2000, 128>}, {transform_indices = @transform_4, window_bounds = array<i64: 2000, 1>}]} {
    %get3A = arith.constant 0 : index
    %get3A_0 = arith.constant 0 : index
    %get3A_1 = vector.load %arg2[%get3A, %get3A_0] : memref<2000x2xf32, #tpu.memory_space<vmem>>, vector<2000x2xf32>
    %reduce_sum3A = arith.constant dense<0.000000e+00> : vector<2000xf32>
    %reduce_sum3A_2 = vector.multi_reduction <add>, %get3A_1, %reduce_sum3A [1] : vector<2000x2xf32> to vector<2000xf32>
    %broadcast_in_dim3A = vector.shape_cast %reduce_sum3A_2 : vector<2000xf32> to vector<2000x1xf32>
    %add3A = arith.constant 1.000000e+00 : f32
    %add3A_3 = vector.broadcast %add3A : f32 to vector<2000x1xf32>
    %add3A_4 = arith.addf %broadcast_in_dim3A, %add3A_3 : vector<2000x1xf32>
    %rsqrt3A = math.rsqrt %add3A_4 : vector<2000x1xf32>
    %get3A_5 = arith.constant 0 : index
    %get3A_6 = arith.constant 0 : index
    %get3A_7 = vector.load %arg1[%get3A_5, %get3A_6] : memref<2000x128xf32, #tpu.memory_space<vmem>>, vector<2000x128xf32>
    %get3A_8 = arith.constant 0 : index
    %get3A_9 = arith.constant 0 : index
    %get3A_10 = vector.load %arg3[%get3A_8, %get3A_9] : memref<128x128xf32, #tpu.memory_space<vmem>>, vector<128x128xf32>
    %dot_general3A = arith.constant dense<0.000000e+00> : vector<2000x128xf32>
    %dot_general3A_11 = tpu.matmul %get3A_7, %get3A_10, %dot_general3A {dimension_numbers = #tpu.dot_dimension_numbers<[1], [0], [0], [1], [0, 0, 1, 1], [], []>, transpose_lhs_hint = false} : vector<2000x128xf32>, vector<128x128xf32>, vector<2000x128xf32> -> vector<2000x128xf32>
    %mul3A = vector.broadcast %rsqrt3A : vector<2000x1xf32> to vector<2000x128xf32>
    %mul3A_12 = arith.mulf %dot_general3A_11, %mul3A : vector<2000x128xf32>
    %swap3A = arith.constant 0 : index
    %swap3A_13 = arith.constant 0 : index
    %swap3A_14 = vector.load %arg4[%swap3A, %swap3A_13] : memref<2000x128xf32, #tpu.memory_space<vmem>>, vector<2000x128xf32>
    tpu.vector_store %arg4[%swap3A, %swap3A_13], %mul3A_12 {strides = array<i32>} : memref<2000x128xf32, #tpu.memory_space<vmem>>, vector<2000x128xf32>,
    %swap3A_15 = arith.constant 0 : index
    %swap3A_16 = arith.constant 0 : index
    %swap3A_17 = vector.load %arg5[%swap3A_15, %swap3A_16] : memref<2000x1xf32, #tpu.memory_space<vmem>>, vector<2000x1xf32>
    tpu.vector_store %arg5[%swap3A_15, %swap3A_16], %rsqrt3A {strides = array<i32>} : memref<2000x1xf32, #tpu.memory_space<vmem>>, vector<2000x1xf32>,
    return
  }
  func.func @transform_0(%arg0: i32) -> (i32, i32) {
    %c0_i32 = arith.constant 0 : i32
    %c0_i32_0 = arith.constant 0 : i32
    return %arg0, %c0_i32 : i32, i32
  }
  func.func @transform_1(%arg0: i32) -> (i32, i32) {
    %c0_i32 = arith.constant 0 : i32
    %c0_i32_0 = arith.constant 0 : i32
    return %arg0, %c0_i32 : i32, i32
  }
  func.func @transform_2(%arg0: i32) -> (i32, i32) {
    %c0_i32 = arith.constant 0 : i32
    %c0_i32_0 = arith.constant 0 : i32
    %c0_i32_1 = arith.constant 0 : i32
    return %c0_i32, %c0_i32_0 : i32, i32
  }
  func.func @transform_3(%arg0: i32) -> (i32, i32) {
    %c0_i32 = arith.constant 0 : i32
    %c0_i32_0 = arith.constant 0 : i32
    return %arg0, %c0_i32 : i32, i32
  }
  func.func @transform_4(%arg0: i32) -> (i32, i32) {
    %c0_i32 = arith.constant 0 : i32
    %c0_i32_0 = arith.constant 0 : i32
    return %arg0, %c0_i32 : i32, i32
  }
}

module attributes {stable_mosaic.version = 14 : i64} {
  func.func @_tc_head_body(%arg0: i32, %arg1: memref<2x1250x8x128xf32, #tpu.memory_space<vmem>>, %arg2: memref<1250x8x1xf32, #tpu.memory_space<vmem>>, %arg3: memref<1250x8x128xf32, #tpu.memory_space<vmem>>, %arg4: memref<1x1x128xf32, #tpu.memory_space<vmem>>, %arg5: memref<128x32xf32, #tpu.memory_space<vmem>>, %arg6: memref<1x32xf32, #tpu.memory_space<vmem>>, %arg7: memref<32x32xf32, #tpu.memory_space<vmem>>, %arg8: memref<1x32xf32, #tpu.memory_space<vmem>>, %arg9: memref<32x1xf32, #tpu.memory_space<vmem>>, %arg10: memref<1x1xf32, #tpu.memory_space<vmem>>, %arg11: memref<1250x8xf32, #tpu.memory_space<vmem>>, %arg12: memref<1x1xf32, #tpu.memory_space<vmem>>) attributes {dimension_semantics = [#tpu.dimension_semantics<arbitrary>], iteration_bounds = array<i64: 1>, scalar_prefetch = 0 : i64, scratch_operands = 0 : i64, tpu.core_type = #tpu.core_type<tc>, window_params = [{transform_indices = @transform_0, window_bounds = array<i64: 2, 1250, 8, 128>}, {pipeline_mode = #tpu.pipeline_mode<synchronous>, transform_indices = @transform_1, window_bounds = array<i64: 1250, 8, 1>}, {pipeline_mode = #tpu.pipeline_mode<synchronous>, transform_indices = @transform_2, window_bounds = array<i64: 1250, 8, 128>}, {pipeline_mode = #tpu.pipeline_mode<synchronous>, transform_indices = @transform_3, window_bounds = array<i64: 1, 1, 128>}, {pipeline_mode = #tpu.pipeline_mode<synchronous>, transform_indices = @transform_4, window_bounds = array<i64: 128, 32>}, {pipeline_mode = #tpu.pipeline_mode<synchronous>, transform_indices = @transform_5, window_bounds = array<i64: 1, 32>}, {pipeline_mode = #tpu.pipeline_mode<synchronous>, transform_indices = @transform_6, window_bounds = array<i64: 32, 32>}, {pipeline_mode = #tpu.pipeline_mode<synchronous>, transform_indices = @transform_7, window_bounds = array<i64: 1, 32>}, {pipeline_mode = #tpu.pipeline_mode<synchronous>, transform_indices = @transform_8, window_bounds = array<i64: 32, 1>}, {pipeline_mode = #tpu.pipeline_mode<synchronous>, transform_indices = @transform_9, window_bounds = array<i64: 1, 1>}, {pipeline_mode = #tpu.pipeline_mode<synchronous>, transform_indices = @transform_10, window_bounds = array<i64: 1250, 8>}, {pipeline_mode = #tpu.pipeline_mode<synchronous>, transform_indices = @transform_11, window_bounds = array<i64: 1, 1>}]} {
    %get3A = arith.constant 0 : index
    %get3A_0 = arith.constant 0 : index
    %get3A_1 = arith.constant 0 : index
    %get3A_2 = arith.constant 0 : index
    %get3A_3 = vector.load %arg1[%get3A, %get3A_0, %get3A_1, %get3A_2] : memref<2x1250x8x128xf32, #tpu.memory_space<vmem>>, vector<1x1250x8x128xf32>
    %get3A_4 = vector.shape_cast %get3A_3 : vector<1x1250x8x128xf32> to vector<1250x8x128xf32>
    %get3A_5 = arith.constant 1 : index
    %get3A_6 = arith.constant 0 : index
    %get3A_7 = arith.constant 0 : index
    %get3A_8 = arith.constant 0 : index
    %get3A_9 = vector.load %arg1[%get3A_5, %get3A_6, %get3A_7, %get3A_8] : memref<2x1250x8x128xf32, #tpu.memory_space<vmem>>, vector<1x1250x8x128xf32>
    %get3A_10 = vector.shape_cast %get3A_9 : vector<1x1250x8x128xf32> to vector<1250x8x128xf32>
    %add3A = arith.addf %get3A_4, %get3A_10 : vector<1250x8x128xf32>
    %get3A_11 = arith.constant 0 : index
    %get3A_12 = arith.constant 0 : index
    %get3A_13 = arith.constant 0 : index
    %get3A_14 = vector.load %arg2[%get3A_11, %get3A_12, %get3A_13] : memref<1250x8x1xf32, #tpu.memory_space<vmem>>, vector<1250x8x1xf32>
    %mul3A = vector.broadcast %get3A_14 : vector<1250x8x1xf32> to vector<1250x8x128xf32>
    %mul3A_15 = arith.mulf %add3A, %mul3A : vector<1250x8x128xf32>
    %get3A_16 = arith.constant 0 : index
    %get3A_17 = arith.constant 0 : index
    %get3A_18 = arith.constant 0 : index
    %get3A_19 = vector.load %arg4[%get3A_16, %get3A_17, %get3A_18] : memref<1x1x128xf32, #tpu.memory_space<vmem>>, vector<1x1x128xf32>
    %add3A_20 = vector.broadcast %get3A_19 : vector<1x1x128xf32> to vector<1250x8x128xf32>
    %add3A_21 = arith.addf %mul3A_15, %add3A_20 : vector<1250x8x128xf32>
    %max3A = arith.constant 0.000000e+00 : f32
    %max3A_22 = vector.broadcast %max3A : f32 to vector<1250x8x128xf32>
    %max3A_23 = arith.maximumf %add3A_21, %max3A_22 : vector<1250x8x128xf32>
    %get3A_24 = arith.constant 0 : index
    %get3A_25 = arith.constant 0 : index
    %get3A_26 = arith.constant 0 : index
    %get3A_27 = vector.load %arg3[%get3A_24, %get3A_25, %get3A_26] : memref<1250x8x128xf32, #tpu.memory_space<vmem>>, vector<1250x8x128xf32>
    %add3A_28 = arith.addf %max3A_23, %get3A_27 : vector<1250x8x128xf32>
    %slice3A = vector.extract_strided_slice %add3A_28 {offsets = [0, 0, 0], sizes = [1250, 1, 128], strides = [1, 1, 1]} : vector<1250x8x128xf32> to vector<1250x1x128xf32>
    %squeeze3A = vector.shape_cast %slice3A : vector<1250x1x128xf32> to vector<1250x128xf32>
    %get3A_29 = arith.constant 0 : index
    %get3A_30 = arith.constant 0 : index
    %get3A_31 = vector.load %arg5[%get3A_29, %get3A_30] : memref<128x32xf32, #tpu.memory_space<vmem>>, vector<128x32xf32>
    %dot_general3A = arith.constant dense<0.000000e+00> : vector<1250x32xf32>
    %dot_general3A_32 = tpu.matmul %squeeze3A, %get3A_31, %dot_general3A {dimension_numbers = #tpu.dot_dimension_numbers<[1], [0], [0], [1], [0, 0, 1, 1], [], []>, transpose_lhs_hint = false} : vector<1250x128xf32>, vector<128x32xf32>, vector<1250x32xf32> -> vector<1250x32xf32>
    %get3A_33 = arith.constant 0 : index
    %get3A_34 = arith.constant 0 : index
    %get3A_35 = vector.load %arg6[%get3A_33, %get3A_34] : memref<1x32xf32, #tpu.memory_space<vmem>>, vector<1x32xf32>
    %add3A_36 = vector.broadcast %get3A_35 : vector<1x32xf32> to vector<1250x32xf32>
    %add3A_37 = arith.addf %dot_general3A_32, %add3A_36 : vector<1250x32xf32>
    %ge3A = arith.constant 0.000000e+00 : f32
    %ge3A_38 = vector.broadcast %ge3A : f32 to vector<1250x32xf32>
    %ge3A_39 = arith.cmpf oge, %add3A_37, %ge3A_38 : vector<1250x32xf32>
    %mul3A_40 = arith.constant 0.00999999977 : f32
    %mul3A_41 = vector.broadcast %mul3A_40 : f32 to vector<1250x32xf32>
    %mul3A_42 = arith.mulf %mul3A_41, %add3A_37 : vector<1250x32xf32>
    %select_n3A = arith.select %ge3A_39, %add3A_37, %mul3A_42 : vector<1250x32xi1>, vector<1250x32xf32>
    %get3A_43 = arith.constant 0 : index
    %get3A_44 = arith.constant 0 : index
    %get3A_45 = vector.load %arg7[%get3A_43, %get3A_44] : memref<32x32xf32, #tpu.memory_space<vmem>>, vector<32x32xf32>
    %dot_general3A_46 = arith.constant dense<0.000000e+00> : vector<1250x32xf32>
    %dot_general3A_47 = tpu.matmul %select_n3A, %get3A_45, %dot_general3A_46 {dimension_numbers = #tpu.dot_dimension_numbers<[1], [0], [0], [1], [0, 0, 1, 1], [], []>, transpose_lhs_hint = false} : vector<1250x32xf32>, vector<32x32xf32>, vector<1250x32xf32> -> vector<1250x32xf32>
    %get3A_48 = arith.constant 0 : index
    %get3A_49 = arith.constant 0 : index
    %get3A_50 = vector.load %arg8[%get3A_48, %get3A_49] : memref<1x32xf32, #tpu.memory_space<vmem>>, vector<1x32xf32>
    %add3A_51 = vector.broadcast %get3A_50 : vector<1x32xf32> to vector<1250x32xf32>
    %add3A_52 = arith.addf %dot_general3A_47, %add3A_51 : vector<1250x32xf32>
    %ge3A_53 = arith.constant 0.000000e+00 : f32
    %ge3A_54 = vector.broadcast %ge3A_53 : f32 to vector<1250x32xf32>
    %ge3A_55 = arith.cmpf oge, %add3A_52, %ge3A_54 : vector<1250x32xf32>
    %mul3A_56 = arith.constant 0.00999999977 : f32
    %mul3A_57 = vector.broadcast %mul3A_56 : f32 to vector<1250x32xf32>
    %mul3A_58 = arith.mulf %mul3A_57, %add3A_52 : vector<1250x32xf32>
    %select_n3A_59 = arith.select %ge3A_55, %add3A_52, %mul3A_58 : vector<1250x32xi1>, vector<1250x32xf32>
    %get3A_60 = arith.constant 0 : index
    %get3A_61 = arith.constant 0 : index
    %get3A_62 = vector.load %arg9[%get3A_60, %get3A_61] : memref<32x1xf32, #tpu.memory_space<vmem>>, vector<32x1xf32>
    %dot_general3A_63 = arith.constant dense<0.000000e+00> : vector<1250x1xf32>
    %dot_general3A_64 = tpu.matmul %select_n3A_59, %get3A_62, %dot_general3A_63 {dimension_numbers = #tpu.dot_dimension_numbers<[1], [0], [0], [1], [0, 0, 1, 1], [], []>, transpose_lhs_hint = false} : vector<1250x32xf32>, vector<32x1xf32>, vector<1250x1xf32> -> vector<1250x1xf32>
    %get3A_65 = arith.constant 0 : index
    %get3A_66 = arith.constant 0 : index
    %get3A_67 = vector.load %arg10[%get3A_65, %get3A_66] : memref<1x1xf32, #tpu.memory_space<vmem>>, vector<1x1xf32>
    %add3A_68 = vector.broadcast %get3A_67 : vector<1x1xf32> to vector<1250x1xf32>
    %add3A_69 = arith.addf %dot_general3A_64, %add3A_68 : vector<1250x1xf32>
    %max3A_70 = arith.constant 0.000000e+00 : f32
    %max3A_71 = vector.broadcast %max3A_70 : f32 to vector<1250x1xf32>
    %max3A_72 = arith.maximumf %add3A_69, %max3A_71 : vector<1250x1xf32>
    %abs3A = math.absf %add3A_69 : vector<1250x1xf32>
    %neg3A = arith.constant 0.000000e+00 : f32
    %neg3A_73 = vector.broadcast %neg3A : f32 to vector<1250x1xf32>
    %neg3A_74 = arith.subf %neg3A_73, %abs3A : vector<1250x1xf32>
    %exp3A = math.exp %neg3A_74 : vector<1250x1xf32>
    %add3A_75 = arith.constant 1.000000e+00 : f32
    %add3A_76 = vector.broadcast %add3A_75 : f32 to vector<1250x1xf32>
    %add3A_77 = arith.addf %add3A_76, %exp3A : vector<1250x1xf32>
    %log3A = math.log %add3A_77 : vector<1250x1xf32>
    %add3A_78 = arith.addf %max3A_72, %log3A : vector<1250x1xf32>
    %slice3A_79 = vector.extract_strided_slice %add3A_28 {offsets = [0, 1, 0], sizes = [1250, 1, 128], strides = [1, 1, 1]} : vector<1250x8x128xf32> to vector<1250x1x128xf32>
    %squeeze3A_80 = vector.shape_cast %slice3A_79 : vector<1250x1x128xf32> to vector<1250x128xf32>
    %get3A_81 = arith.constant 0 : index
    %get3A_82 = arith.constant 0 : index
    %get3A_83 = vector.load %arg5[%get3A_81, %get3A_82] : memref<128x32xf32, #tpu.memory_space<vmem>>, vector<128x32xf32>
    %dot_general3A_84 = arith.constant dense<0.000000e+00> : vector<1250x32xf32>
    %dot_general3A_85 = tpu.matmul %squeeze3A_80, %get3A_83, %dot_general3A_84 {dimension_numbers = #tpu.dot_dimension_numbers<[1], [0], [0], [1], [0, 0, 1, 1], [], []>, transpose_lhs_hint = false} : vector<1250x128xf32>, vector<128x32xf32>, vector<1250x32xf32> -> vector<1250x32xf32>
    %get3A_86 = arith.constant 0 : index
    %get3A_87 = arith.constant 0 : index
    %get3A_88 = vector.load %arg6[%get3A_86, %get3A_87] : memref<1x32xf32, #tpu.memory_space<vmem>>, vector<1x32xf32>
    %add3A_89 = vector.broadcast %get3A_88 : vector<1x32xf32> to vector<1250x32xf32>
    %add3A_90 = arith.addf %dot_general3A_85, %add3A_89 : vector<1250x32xf32>
    %ge3A_91 = arith.constant 0.000000e+00 : f32
    %ge3A_92 = vector.broadcast %ge3A_91 : f32 to vector<1250x32xf32>
    %ge3A_93 = arith.cmpf oge, %add3A_90, %ge3A_92 : vector<1250x32xf32>
    %mul3A_94 = arith.constant 0.00999999977 : f32
    %mul3A_95 = vector.broadcast %mul3A_94 : f32 to vector<1250x32xf32>
    %mul3A_96 = arith.mulf %mul3A_95, %add3A_90 : vector<1250x32xf32>
    %select_n3A_97 = arith.select %ge3A_93, %add3A_90, %mul3A_96 : vector<1250x32xi1>, vector<1250x32xf32>
    %get3A_98 = arith.constant 0 : index
    %get3A_99 = arith.constant 0 : index
    %get3A_100 = vector.load %arg7[%get3A_98, %get3A_99] : memref<32x32xf32, #tpu.memory_space<vmem>>, vector<32x32xf32>
    %dot_general3A_101 = arith.constant dense<0.000000e+00> : vector<1250x32xf32>
    %dot_general3A_102 = tpu.matmul %select_n3A_97, %get3A_100, %dot_general3A_101 {dimension_numbers = #tpu.dot_dimension_numbers<[1], [0], [0], [1], [0, 0, 1, 1], [], []>, transpose_lhs_hint = false} : vector<1250x32xf32>, vector<32x32xf32>, vector<1250x32xf32> -> vector<1250x32xf32>
    %get3A_103 = arith.constant 0 : index
    %get3A_104 = arith.constant 0 : index
    %get3A_105 = vector.load %arg8[%get3A_103, %get3A_104] : memref<1x32xf32, #tpu.memory_space<vmem>>, vector<1x32xf32>
    %add3A_106 = vector.broadcast %get3A_105 : vector<1x32xf32> to vector<1250x32xf32>
    %add3A_107 = arith.addf %dot_general3A_102, %add3A_106 : vector<1250x32xf32>
    %ge3A_108 = arith.constant 0.000000e+00 : f32
    %ge3A_109 = vector.broadcast %ge3A_108 : f32 to vector<1250x32xf32>
    %ge3A_110 = arith.cmpf oge, %add3A_107, %ge3A_109 : vector<1250x32xf32>
    %mul3A_111 = arith.constant 0.00999999977 : f32
    %mul3A_112 = vector.broadcast %mul3A_111 : f32 to vector<1250x32xf32>
    %mul3A_113 = arith.mulf %mul3A_112, %add3A_107 : vector<1250x32xf32>
    %select_n3A_114 = arith.select %ge3A_110, %add3A_107, %mul3A_113 : vector<1250x32xi1>, vector<1250x32xf32>
    %get3A_115 = arith.constant 0 : index
    %get3A_116 = arith.constant 0 : index
    %get3A_117 = vector.load %arg9[%get3A_115, %get3A_116] : memref<32x1xf32, #tpu.memory_space<vmem>>, vector<32x1xf32>
    %dot_general3A_118 = arith.constant dense<0.000000e+00> : vector<1250x1xf32>
    %dot_general3A_119 = tpu.matmul %select_n3A_114, %get3A_117, %dot_general3A_118 {dimension_numbers = #tpu.dot_dimension_numbers<[1], [0], [0], [1], [0, 0, 1, 1], [], []>, transpose_lhs_hint = false} : vector<1250x32xf32>, vector<32x1xf32>, vector<1250x1xf32> -> vector<1250x1xf32>
    %get3A_120 = arith.constant 0 : index
    %get3A_121 = arith.constant 0 : index
    %get3A_122 = vector.load %arg10[%get3A_120, %get3A_121] : memref<1x1xf32, #tpu.memory_space<vmem>>, vector<1x1xf32>
    %add3A_123 = vector.broadcast %get3A_122 : vector<1x1xf32> to vector<1250x1xf32>
    %add3A_124 = arith.addf %dot_general3A_119, %add3A_123 : vector<1250x1xf32>
    %max3A_125 = arith.constant 0.000000e+00 : f32
    %max3A_126 = vector.broadcast %max3A_125 : f32 to vector<1250x1xf32>
    %max3A_127 = arith.maximumf %add3A_124, %max3A_126 : vector<1250x1xf32>
    %abs3A_128 = math.absf %add3A_124 : vector<1250x1xf32>
    %neg3A_129 = arith.constant 0.000000e+00 : f32
    %neg3A_130 = vector.broadcast %neg3A_129 : f32 to vector<1250x1xf32>
    %neg3A_131 = arith.subf %neg3A_130, %abs3A_128 : vector<1250x1xf32>
    %exp3A_132 = math.exp %neg3A_131 : vector<1250x1xf32>
    %add3A_133 = arith.constant 1.000000e+00 : f32
    %add3A_134 = vector.broadcast %add3A_133 : f32 to vector<1250x1xf32>
    %add3A_135 = arith.addf %add3A_134, %exp3A_132 : vector<1250x1xf32>
    %log3A_136 = math.log %add3A_135 : vector<1250x1xf32>
    %add3A_137 = arith.addf %max3A_127, %log3A_136 : vector<1250x1xf32>
    %slice3A_138 = vector.extract_strided_slice %add3A_28 {offsets = [0, 2, 0], sizes = [1250, 1, 128], strides = [1, 1, 1]} : vector<1250x8x128xf32> to vector<1250x1x128xf32>
    %squeeze3A_139 = vector.shape_cast %slice3A_138 : vector<1250x1x128xf32> to vector<1250x128xf32>
    %get3A_140 = arith.constant 0 : index
    %get3A_141 = arith.constant 0 : index
    %get3A_142 = vector.load %arg5[%get3A_140, %get3A_141] : memref<128x32xf32, #tpu.memory_space<vmem>>, vector<128x32xf32>
    %dot_general3A_143 = arith.constant dense<0.000000e+00> : vector<1250x32xf32>
    %dot_general3A_144 = tpu.matmul %squeeze3A_139, %get3A_142, %dot_general3A_143 {dimension_numbers = #tpu.dot_dimension_numbers<[1], [0], [0], [1], [0, 0, 1, 1], [], []>, transpose_lhs_hint = false} : vector<1250x128xf32>, vector<128x32xf32>, vector<1250x32xf32> -> vector<1250x32xf32>
    %get3A_145 = arith.constant 0 : index
    %get3A_146 = arith.constant 0 : index
    %get3A_147 = vector.load %arg6[%get3A_145, %get3A_146] : memref<1x32xf32, #tpu.memory_space<vmem>>, vector<1x32xf32>
    %add3A_148 = vector.broadcast %get3A_147 : vector<1x32xf32> to vector<1250x32xf32>
    %add3A_149 = arith.addf %dot_general3A_144, %add3A_148 : vector<1250x32xf32>
    %ge3A_150 = arith.constant 0.000000e+00 : f32
    %ge3A_151 = vector.broadcast %ge3A_150 : f32 to vector<1250x32xf32>
    %ge3A_152 = arith.cmpf oge, %add3A_149, %ge3A_151 : vector<1250x32xf32>
    %mul3A_153 = arith.constant 0.00999999977 : f32
    %mul3A_154 = vector.broadcast %mul3A_153 : f32 to vector<1250x32xf32>
    %mul3A_155 = arith.mulf %mul3A_154, %add3A_149 : vector<1250x32xf32>
    %select_n3A_156 = arith.select %ge3A_152, %add3A_149, %mul3A_155 : vector<1250x32xi1>, vector<1250x32xf32>
    %get3A_157 = arith.constant 0 : index
    %get3A_158 = arith.constant 0 : index
    %get3A_159 = vector.load %arg7[%get3A_157, %get3A_158] : memref<32x32xf32, #tpu.memory_space<vmem>>, vector<32x32xf32>
    %dot_general3A_160 = arith.constant dense<0.000000e+00> : vector<1250x32xf32>
    %dot_general3A_161 = tpu.matmul %select_n3A_156, %get3A_159, %dot_general3A_160 {dimension_numbers = #tpu.dot_dimension_numbers<[1], [0], [0], [1], [0, 0, 1, 1], [], []>, transpose_lhs_hint = false} : vector<1250x32xf32>, vector<32x32xf32>, vector<1250x32xf32> -> vector<1250x32xf32>
    %get3A_162 = arith.constant 0 : index
    %get3A_163 = arith.constant 0 : index
    %get3A_164 = vector.load %arg8[%get3A_162, %get3A_163] : memref<1x32xf32, #tpu.memory_space<vmem>>, vector<1x32xf32>
    %add3A_165 = vector.broadcast %get3A_164 : vector<1x32xf32> to vector<1250x32xf32>
    %add3A_166 = arith.addf %dot_general3A_161, %add3A_165 : vector<1250x32xf32>
    %ge3A_167 = arith.constant 0.000000e+00 : f32
    %ge3A_168 = vector.broadcast %ge3A_167 : f32 to vector<1250x32xf32>
    %ge3A_169 = arith.cmpf oge, %add3A_166, %ge3A_168 : vector<1250x32xf32>
    %mul3A_170 = arith.constant 0.00999999977 : f32
    %mul3A_171 = vector.broadcast %mul3A_170 : f32 to vector<1250x32xf32>
    %mul3A_172 = arith.mulf %mul3A_171, %add3A_166 : vector<1250x32xf32>
    %select_n3A_173 = arith.select %ge3A_169, %add3A_166, %mul3A_172 : vector<1250x32xi1>, vector<1250x32xf32>
    %get3A_174 = arith.constant 0 : index
    %get3A_175 = arith.constant 0 : index
    %get3A_176 = vector.load %arg9[%get3A_174, %get3A_175] : memref<32x1xf32, #tpu.memory_space<vmem>>, vector<32x1xf32>
    %dot_general3A_177 = arith.constant dense<0.000000e+00> : vector<1250x1xf32>
    %dot_general3A_178 = tpu.matmul %select_n3A_173, %get3A_176, %dot_general3A_177 {dimension_numbers = #tpu.dot_dimension_numbers<[1], [0], [0], [1], [0, 0, 1, 1], [], []>, transpose_lhs_hint = false} : vector<1250x32xf32>, vector<32x1xf32>, vector<1250x1xf32> -> vector<1250x1xf32>
    %get3A_179 = arith.constant 0 : index
    %get3A_180 = arith.constant 0 : index
    %get3A_181 = vector.load %arg10[%get3A_179, %get3A_180] : memref<1x1xf32, #tpu.memory_space<vmem>>, vector<1x1xf32>
    %add3A_182 = vector.broadcast %get3A_181 : vector<1x1xf32> to vector<1250x1xf32>
    %add3A_183 = arith.addf %dot_general3A_178, %add3A_182 : vector<1250x1xf32>
    %max3A_184 = arith.constant 0.000000e+00 : f32
    %max3A_185 = vector.broadcast %max3A_184 : f32 to vector<1250x1xf32>
    %max3A_186 = arith.maximumf %add3A_183, %max3A_185 : vector<1250x1xf32>
    %abs3A_187 = math.absf %add3A_183 : vector<1250x1xf32>
    %neg3A_188 = arith.constant 0.000000e+00 : f32
    %neg3A_189 = vector.broadcast %neg3A_188 : f32 to vector<1250x1xf32>
    %neg3A_190 = arith.subf %neg3A_189, %abs3A_187 : vector<1250x1xf32>
    %exp3A_191 = math.exp %neg3A_190 : vector<1250x1xf32>
    %add3A_192 = arith.constant 1.000000e+00 : f32
    %add3A_193 = vector.broadcast %add3A_192 : f32 to vector<1250x1xf32>
    %add3A_194 = arith.addf %add3A_193, %exp3A_191 : vector<1250x1xf32>
    %log3A_195 = math.log %add3A_194 : vector<1250x1xf32>
    %add3A_196 = arith.addf %max3A_186, %log3A_195 : vector<1250x1xf32>
    %slice3A_197 = vector.extract_strided_slice %add3A_28 {offsets = [0, 3, 0], sizes = [1250, 1, 128], strides = [1, 1, 1]} : vector<1250x8x128xf32> to vector<1250x1x128xf32>
    %squeeze3A_198 = vector.shape_cast %slice3A_197 : vector<1250x1x128xf32> to vector<1250x128xf32>
    %get3A_199 = arith.constant 0 : index
    %get3A_200 = arith.constant 0 : index
    %get3A_201 = vector.load %arg5[%get3A_199, %get3A_200] : memref<128x32xf32, #tpu.memory_space<vmem>>, vector<128x32xf32>
    %dot_general3A_202 = arith.constant dense<0.000000e+00> : vector<1250x32xf32>
    %dot_general3A_203 = tpu.matmul %squeeze3A_198, %get3A_201, %dot_general3A_202 {dimension_numbers = #tpu.dot_dimension_numbers<[1], [0], [0], [1], [0, 0, 1, 1], [], []>, transpose_lhs_hint = false} : vector<1250x128xf32>, vector<128x32xf32>, vector<1250x32xf32> -> vector<1250x32xf32>
    %get3A_204 = arith.constant 0 : index
    %get3A_205 = arith.constant 0 : index
    %get3A_206 = vector.load %arg6[%get3A_204, %get3A_205] : memref<1x32xf32, #tpu.memory_space<vmem>>, vector<1x32xf32>
    %add3A_207 = vector.broadcast %get3A_206 : vector<1x32xf32> to vector<1250x32xf32>
    %add3A_208 = arith.addf %dot_general3A_203, %add3A_207 : vector<1250x32xf32>
    %ge3A_209 = arith.constant 0.000000e+00 : f32
    %ge3A_210 = vector.broadcast %ge3A_209 : f32 to vector<1250x32xf32>
    %ge3A_211 = arith.cmpf oge, %add3A_208, %ge3A_210 : vector<1250x32xf32>
    %mul3A_212 = arith.constant 0.00999999977 : f32
    %mul3A_213 = vector.broadcast %mul3A_212 : f32 to vector<1250x32xf32>
    %mul3A_214 = arith.mulf %mul3A_213, %add3A_208 : vector<1250x32xf32>
    %select_n3A_215 = arith.select %ge3A_211, %add3A_208, %mul3A_214 : vector<1250x32xi1>, vector<1250x32xf32>
    %get3A_216 = arith.constant 0 : index
    %get3A_217 = arith.constant 0 : index
    %get3A_218 = vector.load %arg7[%get3A_216, %get3A_217] : memref<32x32xf32, #tpu.memory_space<vmem>>, vector<32x32xf32>
    %dot_general3A_219 = arith.constant dense<0.000000e+00> : vector<1250x32xf32>
    %dot_general3A_220 = tpu.matmul %select_n3A_215, %get3A_218, %dot_general3A_219 {dimension_numbers = #tpu.dot_dimension_numbers<[1], [0], [0], [1], [0, 0, 1, 1], [], []>, transpose_lhs_hint = false} : vector<1250x32xf32>, vector<32x32xf32>, vector<1250x32xf32> -> vector<1250x32xf32>
    %get3A_221 = arith.constant 0 : index
    %get3A_222 = arith.constant 0 : index
    %get3A_223 = vector.load %arg8[%get3A_221, %get3A_222] : memref<1x32xf32, #tpu.memory_space<vmem>>, vector<1x32xf32>
    %add3A_224 = vector.broadcast %get3A_223 : vector<1x32xf32> to vector<1250x32xf32>
    %add3A_225 = arith.addf %dot_general3A_220, %add3A_224 : vector<1250x32xf32>
    %ge3A_226 = arith.constant 0.000000e+00 : f32
    %ge3A_227 = vector.broadcast %ge3A_226 : f32 to vector<1250x32xf32>
    %ge3A_228 = arith.cmpf oge, %add3A_225, %ge3A_227 : vector<1250x32xf32>
    %mul3A_229 = arith.constant 0.00999999977 : f32
    %mul3A_230 = vector.broadcast %mul3A_229 : f32 to vector<1250x32xf32>
    %mul3A_231 = arith.mulf %mul3A_230, %add3A_225 : vector<1250x32xf32>
    %select_n3A_232 = arith.select %ge3A_228, %add3A_225, %mul3A_231 : vector<1250x32xi1>, vector<1250x32xf32>
    %get3A_233 = arith.constant 0 : index
    %get3A_234 = arith.constant 0 : index
    %get3A_235 = vector.load %arg9[%get3A_233, %get3A_234] : memref<32x1xf32, #tpu.memory_space<vmem>>, vector<32x1xf32>
    %dot_general3A_236 = arith.constant dense<0.000000e+00> : vector<1250x1xf32>
    %dot_general3A_237 = tpu.matmul %select_n3A_232, %get3A_235, %dot_general3A_236 {dimension_numbers = #tpu.dot_dimension_numbers<[1], [0], [0], [1], [0, 0, 1, 1], [], []>, transpose_lhs_hint = false} : vector<1250x32xf32>, vector<32x1xf32>, vector<1250x1xf32> -> vector<1250x1xf32>
    %get3A_238 = arith.constant 0 : index
    %get3A_239 = arith.constant 0 : index
    %get3A_240 = vector.load %arg10[%get3A_238, %get3A_239] : memref<1x1xf32, #tpu.memory_space<vmem>>, vector<1x1xf32>
    %add3A_241 = vector.broadcast %get3A_240 : vector<1x1xf32> to vector<1250x1xf32>
    %add3A_242 = arith.addf %dot_general3A_237, %add3A_241 : vector<1250x1xf32>
    %max3A_243 = arith.constant 0.000000e+00 : f32
    %max3A_244 = vector.broadcast %max3A_243 : f32 to vector<1250x1xf32>
    %max3A_245 = arith.maximumf %add3A_242, %max3A_244 : vector<1250x1xf32>
    %abs3A_246 = math.absf %add3A_242 : vector<1250x1xf32>
    %neg3A_247 = arith.constant 0.000000e+00 : f32
    %neg3A_248 = vector.broadcast %neg3A_247 : f32 to vector<1250x1xf32>
    %neg3A_249 = arith.subf %neg3A_248, %abs3A_246 : vector<1250x1xf32>
    %exp3A_250 = math.exp %neg3A_249 : vector<1250x1xf32>
    %add3A_251 = arith.constant 1.000000e+00 : f32
    %add3A_252 = vector.broadcast %add3A_251 : f32 to vector<1250x1xf32>
    %add3A_253 = arith.addf %add3A_252, %exp3A_250 : vector<1250x1xf32>
    %log3A_254 = math.log %add3A_253 : vector<1250x1xf32>
    %add3A_255 = arith.addf %max3A_245, %log3A_254 : vector<1250x1xf32>
    %slice3A_256 = vector.extract_strided_slice %add3A_28 {offsets = [0, 4, 0], sizes = [1250, 1, 128], strides = [1, 1, 1]} : vector<1250x8x128xf32> to vector<1250x1x128xf32>
    %squeeze3A_257 = vector.shape_cast %slice3A_256 : vector<1250x1x128xf32> to vector<1250x128xf32>
    %get3A_258 = arith.constant 0 : index
    %get3A_259 = arith.constant 0 : index
    %get3A_260 = vector.load %arg5[%get3A_258, %get3A_259] : memref<128x32xf32, #tpu.memory_space<vmem>>, vector<128x32xf32>
    %dot_general3A_261 = arith.constant dense<0.000000e+00> : vector<1250x32xf32>
    %dot_general3A_262 = tpu.matmul %squeeze3A_257, %get3A_260, %dot_general3A_261 {dimension_numbers = #tpu.dot_dimension_numbers<[1], [0], [0], [1], [0, 0, 1, 1], [], []>, transpose_lhs_hint = false} : vector<1250x128xf32>, vector<128x32xf32>, vector<1250x32xf32> -> vector<1250x32xf32>
    %get3A_263 = arith.constant 0 : index
    %get3A_264 = arith.constant 0 : index
    %get3A_265 = vector.load %arg6[%get3A_263, %get3A_264] : memref<1x32xf32, #tpu.memory_space<vmem>>, vector<1x32xf32>
    %add3A_266 = vector.broadcast %get3A_265 : vector<1x32xf32> to vector<1250x32xf32>
    %add3A_267 = arith.addf %dot_general3A_262, %add3A_266 : vector<1250x32xf32>
    %ge3A_268 = arith.constant 0.000000e+00 : f32
    %ge3A_269 = vector.broadcast %ge3A_268 : f32 to vector<1250x32xf32>
    %ge3A_270 = arith.cmpf oge, %add3A_267, %ge3A_269 : vector<1250x32xf32>
    %mul3A_271 = arith.constant 0.00999999977 : f32
    %mul3A_272 = vector.broadcast %mul3A_271 : f32 to vector<1250x32xf32>
    %mul3A_273 = arith.mulf %mul3A_272, %add3A_267 : vector<1250x32xf32>
    %select_n3A_274 = arith.select %ge3A_270, %add3A_267, %mul3A_273 : vector<1250x32xi1>, vector<1250x32xf32>
    %get3A_275 = arith.constant 0 : index
    %get3A_276 = arith.constant 0 : index
    %get3A_277 = vector.load %arg7[%get3A_275, %get3A_276] : memref<32x32xf32, #tpu.memory_space<vmem>>, vector<32x32xf32>
    %dot_general3A_278 = arith.constant dense<0.000000e+00> : vector<1250x32xf32>
    %dot_general3A_279 = tpu.matmul %select_n3A_274, %get3A_277, %dot_general3A_278 {dimension_numbers = #tpu.dot_dimension_numbers<[1], [0], [0], [1], [0, 0, 1, 1], [], []>, transpose_lhs_hint = false} : vector<1250x32xf32>, vector<32x32xf32>, vector<1250x32xf32> -> vector<1250x32xf32>
    %get3A_280 = arith.constant 0 : index
    %get3A_281 = arith.constant 0 : index
    %get3A_282 = vector.load %arg8[%get3A_280, %get3A_281] : memref<1x32xf32, #tpu.memory_space<vmem>>, vector<1x32xf32>
    %add3A_283 = vector.broadcast %get3A_282 : vector<1x32xf32> to vector<1250x32xf32>
    %add3A_284 = arith.addf %dot_general3A_279, %add3A_283 : vector<1250x32xf32>
    %ge3A_285 = arith.constant 0.000000e+00 : f32
    %ge3A_286 = vector.broadcast %ge3A_285 : f32 to vector<1250x32xf32>
    %ge3A_287 = arith.cmpf oge, %add3A_284, %ge3A_286 : vector<1250x32xf32>
    %mul3A_288 = arith.constant 0.00999999977 : f32
    %mul3A_289 = vector.broadcast %mul3A_288 : f32 to vector<1250x32xf32>
    %mul3A_290 = arith.mulf %mul3A_289, %add3A_284 : vector<1250x32xf32>
    %select_n3A_291 = arith.select %ge3A_287, %add3A_284, %mul3A_290 : vector<1250x32xi1>, vector<1250x32xf32>
    %get3A_292 = arith.constant 0 : index
    %get3A_293 = arith.constant 0 : index
    %get3A_294 = vector.load %arg9[%get3A_292, %get3A_293] : memref<32x1xf32, #tpu.memory_space<vmem>>, vector<32x1xf32>
    %dot_general3A_295 = arith.constant dense<0.000000e+00> : vector<1250x1xf32>
    %dot_general3A_296 = tpu.matmul %select_n3A_291, %get3A_294, %dot_general3A_295 {dimension_numbers = #tpu.dot_dimension_numbers<[1], [0], [0], [1], [0, 0, 1, 1], [], []>, transpose_lhs_hint = false} : vector<1250x32xf32>, vector<32x1xf32>, vector<1250x1xf32> -> vector<1250x1xf32>
    %get3A_297 = arith.constant 0 : index
    %get3A_298 = arith.constant 0 : index
    %get3A_299 = vector.load %arg10[%get3A_297, %get3A_298] : memref<1x1xf32, #tpu.memory_space<vmem>>, vector<1x1xf32>
    %add3A_300 = vector.broadcast %get3A_299 : vector<1x1xf32> to vector<1250x1xf32>
    %add3A_301 = arith.addf %dot_general3A_296, %add3A_300 : vector<1250x1xf32>
    %max3A_302 = arith.constant 0.000000e+00 : f32
    %max3A_303 = vector.broadcast %max3A_302 : f32 to vector<1250x1xf32>
    %max3A_304 = arith.maximumf %add3A_301, %max3A_303 : vector<1250x1xf32>
    %abs3A_305 = math.absf %add3A_301 : vector<1250x1xf32>
    %neg3A_306 = arith.constant 0.000000e+00 : f32
    %neg3A_307 = vector.broadcast %neg3A_306 : f32 to vector<1250x1xf32>
    %neg3A_308 = arith.subf %neg3A_307, %abs3A_305 : vector<1250x1xf32>
    %exp3A_309 = math.exp %neg3A_308 : vector<1250x1xf32>
    %add3A_310 = arith.constant 1.000000e+00 : f32
    %add3A_311 = vector.broadcast %add3A_310 : f32 to vector<1250x1xf32>
    %add3A_312 = arith.addf %add3A_311, %exp3A_309 : vector<1250x1xf32>
    %log3A_313 = math.log %add3A_312 : vector<1250x1xf32>
    %add3A_314 = arith.addf %max3A_304, %log3A_313 : vector<1250x1xf32>
    %slice3A_315 = vector.extract_strided_slice %add3A_28 {offsets = [0, 5, 0], sizes = [1250, 1, 128], strides = [1, 1, 1]} : vector<1250x8x128xf32> to vector<1250x1x128xf32>
    %squeeze3A_316 = vector.shape_cast %slice3A_315 : vector<1250x1x128xf32> to vector<1250x128xf32>
    %get3A_317 = arith.constant 0 : index
    %get3A_318 = arith.constant 0 : index
    %get3A_319 = vector.load %arg5[%get3A_317, %get3A_318] : memref<128x32xf32, #tpu.memory_space<vmem>>, vector<128x32xf32>
    %dot_general3A_320 = arith.constant dense<0.000000e+00> : vector<1250x32xf32>
    %dot_general3A_321 = tpu.matmul %squeeze3A_316, %get3A_319, %dot_general3A_320 {dimension_numbers = #tpu.dot_dimension_numbers<[1], [0], [0], [1], [0, 0, 1, 1], [], []>, transpose_lhs_hint = false} : vector<1250x128xf32>, vector<128x32xf32>, vector<1250x32xf32> -> vector<1250x32xf32>
    %get3A_322 = arith.constant 0 : index
    %get3A_323 = arith.constant 0 : index
    %get3A_324 = vector.load %arg6[%get3A_322, %get3A_323] : memref<1x32xf32, #tpu.memory_space<vmem>>, vector<1x32xf32>
    %add3A_325 = vector.broadcast %get3A_324 : vector<1x32xf32> to vector<1250x32xf32>
    %add3A_326 = arith.addf %dot_general3A_321, %add3A_325 : vector<1250x32xf32>
    %ge3A_327 = arith.constant 0.000000e+00 : f32
    %ge3A_328 = vector.broadcast %ge3A_327 : f32 to vector<1250x32xf32>
    %ge3A_329 = arith.cmpf oge, %add3A_326, %ge3A_328 : vector<1250x32xf32>
    %mul3A_330 = arith.constant 0.00999999977 : f32
    %mul3A_331 = vector.broadcast %mul3A_330 : f32 to vector<1250x32xf32>
    %mul3A_332 = arith.mulf %mul3A_331, %add3A_326 : vector<1250x32xf32>
    %select_n3A_333 = arith.select %ge3A_329, %add3A_326, %mul3A_332 : vector<1250x32xi1>, vector<1250x32xf32>
    %get3A_334 = arith.constant 0 : index
    %get3A_335 = arith.constant 0 : index
    %get3A_336 = vector.load %arg7[%get3A_334, %get3A_335] : memref<32x32xf32, #tpu.memory_space<vmem>>, vector<32x32xf32>
    %dot_general3A_337 = arith.constant dense<0.000000e+00> : vector<1250x32xf32>
    %dot_general3A_338 = tpu.matmul %select_n3A_333, %get3A_336, %dot_general3A_337 {dimension_numbers = #tpu.dot_dimension_numbers<[1], [0], [0], [1], [0, 0, 1, 1], [], []>, transpose_lhs_hint = false} : vector<1250x32xf32>, vector<32x32xf32>, vector<1250x32xf32> -> vector<1250x32xf32>
    %get3A_339 = arith.constant 0 : index
    %get3A_340 = arith.constant 0 : index
    %get3A_341 = vector.load %arg8[%get3A_339, %get3A_340] : memref<1x32xf32, #tpu.memory_space<vmem>>, vector<1x32xf32>
    %add3A_342 = vector.broadcast %get3A_341 : vector<1x32xf32> to vector<1250x32xf32>
    %add3A_343 = arith.addf %dot_general3A_338, %add3A_342 : vector<1250x32xf32>
    %ge3A_344 = arith.constant 0.000000e+00 : f32
    %ge3A_345 = vector.broadcast %ge3A_344 : f32 to vector<1250x32xf32>
    %ge3A_346 = arith.cmpf oge, %add3A_343, %ge3A_345 : vector<1250x32xf32>
    %mul3A_347 = arith.constant 0.00999999977 : f32
    %mul3A_348 = vector.broadcast %mul3A_347 : f32 to vector<1250x32xf32>
    %mul3A_349 = arith.mulf %mul3A_348, %add3A_343 : vector<1250x32xf32>
    %select_n3A_350 = arith.select %ge3A_346, %add3A_343, %mul3A_349 : vector<1250x32xi1>, vector<1250x32xf32>
    %get3A_351 = arith.constant 0 : index
    %get3A_352 = arith.constant 0 : index
    %get3A_353 = vector.load %arg9[%get3A_351, %get3A_352] : memref<32x1xf32, #tpu.memory_space<vmem>>, vector<32x1xf32>
    %dot_general3A_354 = arith.constant dense<0.000000e+00> : vector<1250x1xf32>
    %dot_general3A_355 = tpu.matmul %select_n3A_350, %get3A_353, %dot_general3A_354 {dimension_numbers = #tpu.dot_dimension_numbers<[1], [0], [0], [1], [0, 0, 1, 1], [], []>, transpose_lhs_hint = false} : vector<1250x32xf32>, vector<32x1xf32>, vector<1250x1xf32> -> vector<1250x1xf32>
    %get3A_356 = arith.constant 0 : index
    %get3A_357 = arith.constant 0 : index
    %get3A_358 = vector.load %arg10[%get3A_356, %get3A_357] : memref<1x1xf32, #tpu.memory_space<vmem>>, vector<1x1xf32>
    %add3A_359 = vector.broadcast %get3A_358 : vector<1x1xf32> to vector<1250x1xf32>
    %add3A_360 = arith.addf %dot_general3A_355, %add3A_359 : vector<1250x1xf32>
    %max3A_361 = arith.constant 0.000000e+00 : f32
    %max3A_362 = vector.broadcast %max3A_361 : f32 to vector<1250x1xf32>
    %max3A_363 = arith.maximumf %add3A_360, %max3A_362 : vector<1250x1xf32>
    %abs3A_364 = math.absf %add3A_360 : vector<1250x1xf32>
    %neg3A_365 = arith.constant 0.000000e+00 : f32
    %neg3A_366 = vector.broadcast %neg3A_365 : f32 to vector<1250x1xf32>
    %neg3A_367 = arith.subf %neg3A_366, %abs3A_364 : vector<1250x1xf32>
    %exp3A_368 = math.exp %neg3A_367 : vector<1250x1xf32>
    %add3A_369 = arith.constant 1.000000e+00 : f32
    %add3A_370 = vector.broadcast %add3A_369 : f32 to vector<1250x1xf32>
    %add3A_371 = arith.addf %add3A_370, %exp3A_368 : vector<1250x1xf32>
    %log3A_372 = math.log %add3A_371 : vector<1250x1xf32>
    %add3A_373 = arith.addf %max3A_363, %log3A_372 : vector<1250x1xf32>
    %slice3A_374 = vector.extract_strided_slice %add3A_28 {offsets = [0, 6, 0], sizes = [1250, 1, 128], strides = [1, 1, 1]} : vector<1250x8x128xf32> to vector<1250x1x128xf32>
    %squeeze3A_375 = vector.shape_cast %slice3A_374 : vector<1250x1x128xf32> to vector<1250x128xf32>
    %get3A_376 = arith.constant 0 : index
    %get3A_377 = arith.constant 0 : index
    %get3A_378 = vector.load %arg5[%get3A_376, %get3A_377] : memref<128x32xf32, #tpu.memory_space<vmem>>, vector<128x32xf32>
    %dot_general3A_379 = arith.constant dense<0.000000e+00> : vector<1250x32xf32>
    %dot_general3A_380 = tpu.matmul %squeeze3A_375, %get3A_378, %dot_general3A_379 {dimension_numbers = #tpu.dot_dimension_numbers<[1], [0], [0], [1], [0, 0, 1, 1], [], []>, transpose_lhs_hint = false} : vector<1250x128xf32>, vector<128x32xf32>, vector<1250x32xf32> -> vector<1250x32xf32>
    %get3A_381 = arith.constant 0 : index
    %get3A_382 = arith.constant 0 : index
    %get3A_383 = vector.load %arg6[%get3A_381, %get3A_382] : memref<1x32xf32, #tpu.memory_space<vmem>>, vector<1x32xf32>
    %add3A_384 = vector.broadcast %get3A_383 : vector<1x32xf32> to vector<1250x32xf32>
    %add3A_385 = arith.addf %dot_general3A_380, %add3A_384 : vector<1250x32xf32>
    %ge3A_386 = arith.constant 0.000000e+00 : f32
    %ge3A_387 = vector.broadcast %ge3A_386 : f32 to vector<1250x32xf32>
    %ge3A_388 = arith.cmpf oge, %add3A_385, %ge3A_387 : vector<1250x32xf32>
    %mul3A_389 = arith.constant 0.00999999977 : f32
    %mul3A_390 = vector.broadcast %mul3A_389 : f32 to vector<1250x32xf32>
    %mul3A_391 = arith.mulf %mul3A_390, %add3A_385 : vector<1250x32xf32>
    %select_n3A_392 = arith.select %ge3A_388, %add3A_385, %mul3A_391 : vector<1250x32xi1>, vector<1250x32xf32>
    %get3A_393 = arith.constant 0 : index
    %get3A_394 = arith.constant 0 : index
    %get3A_395 = vector.load %arg7[%get3A_393, %get3A_394] : memref<32x32xf32, #tpu.memory_space<vmem>>, vector<32x32xf32>
    %dot_general3A_396 = arith.constant dense<0.000000e+00> : vector<1250x32xf32>
    %dot_general3A_397 = tpu.matmul %select_n3A_392, %get3A_395, %dot_general3A_396 {dimension_numbers = #tpu.dot_dimension_numbers<[1], [0], [0], [1], [0, 0, 1, 1], [], []>, transpose_lhs_hint = false} : vector<1250x32xf32>, vector<32x32xf32>, vector<1250x32xf32> -> vector<1250x32xf32>
    %get3A_398 = arith.constant 0 : index
    %get3A_399 = arith.constant 0 : index
    %get3A_400 = vector.load %arg8[%get3A_398, %get3A_399] : memref<1x32xf32, #tpu.memory_space<vmem>>, vector<1x32xf32>
    %add3A_401 = vector.broadcast %get3A_400 : vector<1x32xf32> to vector<1250x32xf32>
    %add3A_402 = arith.addf %dot_general3A_397, %add3A_401 : vector<1250x32xf32>
    %ge3A_403 = arith.constant 0.000000e+00 : f32
    %ge3A_404 = vector.broadcast %ge3A_403 : f32 to vector<1250x32xf32>
    %ge3A_405 = arith.cmpf oge, %add3A_402, %ge3A_404 : vector<1250x32xf32>
    %mul3A_406 = arith.constant 0.00999999977 : f32
    %mul3A_407 = vector.broadcast %mul3A_406 : f32 to vector<1250x32xf32>
    %mul3A_408 = arith.mulf %mul3A_407, %add3A_402 : vector<1250x32xf32>
    %select_n3A_409 = arith.select %ge3A_405, %add3A_402, %mul3A_408 : vector<1250x32xi1>, vector<1250x32xf32>
    %get3A_410 = arith.constant 0 : index
    %get3A_411 = arith.constant 0 : index
    %get3A_412 = vector.load %arg9[%get3A_410, %get3A_411] : memref<32x1xf32, #tpu.memory_space<vmem>>, vector<32x1xf32>
    %dot_general3A_413 = arith.constant dense<0.000000e+00> : vector<1250x1xf32>
    %dot_general3A_414 = tpu.matmul %select_n3A_409, %get3A_412, %dot_general3A_413 {dimension_numbers = #tpu.dot_dimension_numbers<[1], [0], [0], [1], [0, 0, 1, 1], [], []>, transpose_lhs_hint = false} : vector<1250x32xf32>, vector<32x1xf32>, vector<1250x1xf32> -> vector<1250x1xf32>
    %get3A_415 = arith.constant 0 : index
    %get3A_416 = arith.constant 0 : index
    %get3A_417 = vector.load %arg10[%get3A_415, %get3A_416] : memref<1x1xf32, #tpu.memory_space<vmem>>, vector<1x1xf32>
    %add3A_418 = vector.broadcast %get3A_417 : vector<1x1xf32> to vector<1250x1xf32>
    %add3A_419 = arith.addf %dot_general3A_414, %add3A_418 : vector<1250x1xf32>
    %max3A_420 = arith.constant 0.000000e+00 : f32
    %max3A_421 = vector.broadcast %max3A_420 : f32 to vector<1250x1xf32>
    %max3A_422 = arith.maximumf %add3A_419, %max3A_421 : vector<1250x1xf32>
    %abs3A_423 = math.absf %add3A_419 : vector<1250x1xf32>
    %neg3A_424 = arith.constant 0.000000e+00 : f32
    %neg3A_425 = vector.broadcast %neg3A_424 : f32 to vector<1250x1xf32>
    %neg3A_426 = arith.subf %neg3A_425, %abs3A_423 : vector<1250x1xf32>
    %exp3A_427 = math.exp %neg3A_426 : vector<1250x1xf32>
    %add3A_428 = arith.constant 1.000000e+00 : f32
    %add3A_429 = vector.broadcast %add3A_428 : f32 to vector<1250x1xf32>
    %add3A_430 = arith.addf %add3A_429, %exp3A_427 : vector<1250x1xf32>
    %log3A_431 = math.log %add3A_430 : vector<1250x1xf32>
    %add3A_432 = arith.addf %max3A_422, %log3A_431 : vector<1250x1xf32>
    %slice3A_433 = vector.extract_strided_slice %add3A_28 {offsets = [0, 7, 0], sizes = [1250, 1, 128], strides = [1, 1, 1]} : vector<1250x8x128xf32> to vector<1250x1x128xf32>
    %squeeze3A_434 = vector.shape_cast %slice3A_433 : vector<1250x1x128xf32> to vector<1250x128xf32>
    %get3A_435 = arith.constant 0 : index
    %get3A_436 = arith.constant 0 : index
    %get3A_437 = vector.load %arg5[%get3A_435, %get3A_436] : memref<128x32xf32, #tpu.memory_space<vmem>>, vector<128x32xf32>
    %dot_general3A_438 = arith.constant dense<0.000000e+00> : vector<1250x32xf32>
    %dot_general3A_439 = tpu.matmul %squeeze3A_434, %get3A_437, %dot_general3A_438 {dimension_numbers = #tpu.dot_dimension_numbers<[1], [0], [0], [1], [0, 0, 1, 1], [], []>, transpose_lhs_hint = false} : vector<1250x128xf32>, vector<128x32xf32>, vector<1250x32xf32> -> vector<1250x32xf32>
    %get3A_440 = arith.constant 0 : index
    %get3A_441 = arith.constant 0 : index
    %get3A_442 = vector.load %arg6[%get3A_440, %get3A_441] : memref<1x32xf32, #tpu.memory_space<vmem>>, vector<1x32xf32>
    %add3A_443 = vector.broadcast %get3A_442 : vector<1x32xf32> to vector<1250x32xf32>
    %add3A_444 = arith.addf %dot_general3A_439, %add3A_443 : vector<1250x32xf32>
    %ge3A_445 = arith.constant 0.000000e+00 : f32
    %ge3A_446 = vector.broadcast %ge3A_445 : f32 to vector<1250x32xf32>
    %ge3A_447 = arith.cmpf oge, %add3A_444, %ge3A_446 : vector<1250x32xf32>
    %mul3A_448 = arith.constant 0.00999999977 : f32
    %mul3A_449 = vector.broadcast %mul3A_448 : f32 to vector<1250x32xf32>
    %mul3A_450 = arith.mulf %mul3A_449, %add3A_444 : vector<1250x32xf32>
    %select_n3A_451 = arith.select %ge3A_447, %add3A_444, %mul3A_450 : vector<1250x32xi1>, vector<1250x32xf32>
    %get3A_452 = arith.constant 0 : index
    %get3A_453 = arith.constant 0 : index
    %get3A_454 = vector.load %arg7[%get3A_452, %get3A_453] : memref<32x32xf32, #tpu.memory_space<vmem>>, vector<32x32xf32>
    %dot_general3A_455 = arith.constant dense<0.000000e+00> : vector<1250x32xf32>
    %dot_general3A_456 = tpu.matmul %select_n3A_451, %get3A_454, %dot_general3A_455 {dimension_numbers = #tpu.dot_dimension_numbers<[1], [0], [0], [1], [0, 0, 1, 1], [], []>, transpose_lhs_hint = false} : vector<1250x32xf32>, vector<32x32xf32>, vector<1250x32xf32> -> vector<1250x32xf32>
    %get3A_457 = arith.constant 0 : index
    %get3A_458 = arith.constant 0 : index
    %get3A_459 = vector.load %arg8[%get3A_457, %get3A_458] : memref<1x32xf32, #tpu.memory_space<vmem>>, vector<1x32xf32>
    %add3A_460 = vector.broadcast %get3A_459 : vector<1x32xf32> to vector<1250x32xf32>
    %add3A_461 = arith.addf %dot_general3A_456, %add3A_460 : vector<1250x32xf32>
    %ge3A_462 = arith.constant 0.000000e+00 : f32
    %ge3A_463 = vector.broadcast %ge3A_462 : f32 to vector<1250x32xf32>
    %ge3A_464 = arith.cmpf oge, %add3A_461, %ge3A_463 : vector<1250x32xf32>
    %mul3A_465 = arith.constant 0.00999999977 : f32
    %mul3A_466 = vector.broadcast %mul3A_465 : f32 to vector<1250x32xf32>
    %mul3A_467 = arith.mulf %mul3A_466, %add3A_461 : vector<1250x32xf32>
    %select_n3A_468 = arith.select %ge3A_464, %add3A_461, %mul3A_467 : vector<1250x32xi1>, vector<1250x32xf32>
    %get3A_469 = arith.constant 0 : index
    %get3A_470 = arith.constant 0 : index
    %get3A_471 = vector.load %arg9[%get3A_469, %get3A_470] : memref<32x1xf32, #tpu.memory_space<vmem>>, vector<32x1xf32>
    %dot_general3A_472 = arith.constant dense<0.000000e+00> : vector<1250x1xf32>
    %dot_general3A_473 = tpu.matmul %select_n3A_468, %get3A_471, %dot_general3A_472 {dimension_numbers = #tpu.dot_dimension_numbers<[1], [0], [0], [1], [0, 0, 1, 1], [], []>, transpose_lhs_hint = false} : vector<1250x32xf32>, vector<32x1xf32>, vector<1250x1xf32> -> vector<1250x1xf32>
    %get3A_474 = arith.constant 0 : index
    %get3A_475 = arith.constant 0 : index
    %get3A_476 = vector.load %arg10[%get3A_474, %get3A_475] : memref<1x1xf32, #tpu.memory_space<vmem>>, vector<1x1xf32>
    %add3A_477 = vector.broadcast %get3A_476 : vector<1x1xf32> to vector<1250x1xf32>
    %add3A_478 = arith.addf %dot_general3A_473, %add3A_477 : vector<1250x1xf32>
    %max3A_479 = arith.constant 0.000000e+00 : f32
    %max3A_480 = vector.broadcast %max3A_479 : f32 to vector<1250x1xf32>
    %max3A_481 = arith.maximumf %add3A_478, %max3A_480 : vector<1250x1xf32>
    %abs3A_482 = math.absf %add3A_478 : vector<1250x1xf32>
    %neg3A_483 = arith.constant 0.000000e+00 : f32
    %neg3A_484 = vector.broadcast %neg3A_483 : f32 to vector<1250x1xf32>
    %neg3A_485 = arith.subf %neg3A_484, %abs3A_482 : vector<1250x1xf32>
    %exp3A_486 = math.exp %neg3A_485 : vector<1250x1xf32>
    %add3A_487 = arith.constant 1.000000e+00 : f32
    %add3A_488 = vector.broadcast %add3A_487 : f32 to vector<1250x1xf32>
    %add3A_489 = arith.addf %add3A_488, %exp3A_486 : vector<1250x1xf32>
    %log3A_490 = math.log %add3A_489 : vector<1250x1xf32>
    %add3A_491 = arith.addf %max3A_481, %log3A_490 : vector<1250x1xf32>
    %concatenate3A = tpu.concatenate %add3A_78, %add3A_137, %add3A_196, %add3A_255, %add3A_314, %add3A_373, %add3A_432, %add3A_491 in 1 : vector<1250x1xf32>, vector<1250x1xf32>, vector<1250x1xf32>, vector<1250x1xf32>, vector<1250x1xf32>, vector<1250x1xf32>, vector<1250x1xf32>, vector<1250x1xf32> -> vector<1250x8xf32>
    %reduce_sum3A = arith.constant dense<0.000000e+00> : vector<1250xf32>
    %reduce_sum3A_492 = vector.multi_reduction <add>, %concatenate3A, %reduce_sum3A [1] : vector<1250x8xf32> to vector<1250xf32>
    %broadcast_in_dim3A = vector.shape_cast %reduce_sum3A_492 : vector<1250xf32> to vector<1250x1xf32>
    %add3A_493 = arith.constant 9.99999968E-21 : f32
    %add3A_494 = vector.broadcast %add3A_493 : f32 to vector<1250x1xf32>
    %add3A_495 = arith.addf %broadcast_in_dim3A, %add3A_494 : vector<1250x1xf32>
    %div3A = vector.broadcast %add3A_495 : vector<1250x1xf32> to vector<1250x8xf32>
    %div3A_496 = arith.divf %concatenate3A, %div3A : vector<1250x8xf32>
    %swap3A = arith.constant 0 : index
    %swap3A_497 = arith.constant 0 : index
    %swap3A_498 = vector.load %arg11[%swap3A, %swap3A_497] : memref<1250x8xf32, #tpu.memory_space<vmem>>, vector<1250x8xf32>
    tpu.vector_store %arg11[%swap3A, %swap3A_497], %div3A_496 {strides = array<i32>} : memref<1250x8xf32, #tpu.memory_space<vmem>>, vector<1250x8xf32>,
    %abs3A_499 = math.absf %concatenate3A : vector<1250x8xf32>
    %reduce_sum3A_500 = vector.shape_cast %abs3A_499 : vector<1250x8xf32> to vector<1x1250x8xf32>
    %reduce_sum3A_501 = arith.constant dense<0.000000e+00> : vector<1xf32>
    %reduce_sum3A_502 = vector.multi_reduction <add>, %reduce_sum3A_500, %reduce_sum3A_501 [1, 2] : vector<1x1250x8xf32> to vector<1xf32>
    %reduce_sum3A_503 = vector.shape_cast %reduce_sum3A_502 : vector<1xf32> to vector<1x1x1xf32>
    %reduce_sum3A_504 = vector.extract %reduce_sum3A_503[0, 0, 0] : f32 from vector<1x1x1xf32>
    %broadcast_in_dim3A_505 = vector.broadcast %reduce_sum3A_504 : f32 to vector<1x1xf32>
    %div3A_506 = arith.constant 1.000000e+04 : f32
    %div3A_507 = vector.broadcast %div3A_506 : f32 to vector<1x1xf32>
    %div3A_508 = arith.divf %broadcast_in_dim3A_505, %div3A_507 : vector<1x1xf32>
    %swap3A_509 = arith.constant 0 : index
    %swap3A_510 = arith.constant 0 : index
    %swap3A_511 = vector.load %arg12[%swap3A_509, %swap3A_510] : memref<1x1xf32, #tpu.memory_space<vmem>>, vector<1x1xf32>
    tpu.vector_store %arg12[%swap3A_509, %swap3A_510], %div3A_508 {strides = array<i32>} : memref<1x1xf32, #tpu.memory_space<vmem>>, vector<1x1xf32>,
    return
  }
  func.func @transform_0(%arg0: i32) -> (i32, i32, i32, i32) {
    %c0_i32 = arith.constant 0 : i32
    %c0_i32_0 = arith.constant 0 : i32
    %c0_i32_1 = arith.constant 0 : i32
    %c0_i32_2 = arith.constant 0 : i32
    %c0_i32_3 = arith.constant 0 : i32
    return %c0_i32, %c0_i32_0, %c0_i32_1, %c0_i32_2 : i32, i32, i32, i32
  }
  func.func @transform_1(%arg0: i32) -> (i32, i32, i32) {
    %c0_i32 = arith.constant 0 : i32
    %c0_i32_0 = arith.constant 0 : i32
    %c0_i32_1 = arith.constant 0 : i32
    %c0_i32_2 = arith.constant 0 : i32
    return %c0_i32, %c0_i32_0, %c0_i32_1 : i32, i32, i32
  }
  func.func @transform_2(%arg0: i32) -> (i32, i32, i32) {
    %c0_i32 = arith.constant 0 : i32
    %c0_i32_0 = arith.constant 0 : i32
    %c0_i32_1 = arith.constant 0 : i32
    %c0_i32_2 = arith.constant 0 : i32
    return %c0_i32, %c0_i32_0, %c0_i32_1 : i32, i32, i32
  }
  func.func @transform_3(%arg0: i32) -> (i32, i32, i32) {
    %c0_i32 = arith.constant 0 : i32
    %c0_i32_0 = arith.constant 0 : i32
    %c0_i32_1 = arith.constant 0 : i32
    %c0_i32_2 = arith.constant 0 : i32
    return %c0_i32, %c0_i32_0, %c0_i32_1 : i32, i32, i32
  }
  func.func @transform_4(%arg0: i32) -> (i32, i32) {
    %c0_i32 = arith.constant 0 : i32
    %c0_i32_0 = arith.constant 0 : i32
    %c0_i32_1 = arith.constant 0 : i32
    return %c0_i32, %c0_i32_0 : i32, i32
  }
  func.func @transform_5(%arg0: i32) -> (i32, i32) {
    %c0_i32 = arith.constant 0 : i32
    %c0_i32_0 = arith.constant 0 : i32
    %c0_i32_1 = arith.constant 0 : i32
    return %c0_i32, %c0_i32_0 : i32, i32
  }
  func.func @transform_6(%arg0: i32) -> (i32, i32) {
    %c0_i32 = arith.constant 0 : i32
    %c0_i32_0 = arith.constant 0 : i32
    %c0_i32_1 = arith.constant 0 : i32
    return %c0_i32, %c0_i32_0 : i32, i32
  }
  func.func @transform_7(%arg0: i32) -> (i32, i32) {
    %c0_i32 = arith.constant 0 : i32
    %c0_i32_0 = arith.constant 0 : i32
    %c0_i32_1 = arith.constant 0 : i32
    return %c0_i32, %c0_i32_0 : i32, i32
  }
  func.func @transform_8(%arg0: i32) -> (i32, i32) {
    %c0_i32 = arith.constant 0 : i32
    %c0_i32_0 = arith.constant 0 : i32
    %c0_i32_1 = arith.constant 0 : i32
    return %c0_i32, %c0_i32_0 : i32, i32
  }
  func.func @transform_9(%arg0: i32) -> (i32, i32) {
    %c0_i32 = arith.constant 0 : i32
    %c0_i32_0 = arith.constant 0 : i32
    %c0_i32_1 = arith.constant 0 : i32
    return %c0_i32, %c0_i32_0 : i32, i32
  }
  func.func @transform_10(%arg0: i32) -> (i32, i32) {
    %c0_i32 = arith.constant 0 : i32
    %c0_i32_0 = arith.constant 0 : i32
    %c0_i32_1 = arith.constant 0 : i32
    return %c0_i32, %c0_i32_0 : i32, i32
  }
  func.func @transform_11(%arg0: i32) -> (i32, i32) {
    %c0_i32 = arith.constant 0 : i32
    %c0_i32_0 = arith.constant 0 : i32
    %c0_i32_1 = arith.constant 0 : i32
    return %c0_i32, %c0_i32_0 : i32, i32
  }
}

</mosaic_0001>

<sc_bundles>
// kernel: kernel.6.cloned.1.call-start
scs
__scs_entry_jumppad:
0x0: {  	(pc) =	sbr.rel $0x88, $3  }
0x1: {  	(tag) =	ssettag $0x0;
	lr =	simm.s32 $0x1  }
0x2: {  	[smem:$0x3F97] =	sst lr;
	_ =	strace $0xD0000000  }
0x3: {  	_ = 	snop  }
0x4: {  	_ = 	snop  }
0x5: {  	_ = 	snop  }
0x6: {  	_ = 	snop  }
0x7: {  	_ = 	snop  }
__scs_overlays_trampoline_lowered:
0x8: {  	[smem:$0x3FA6] =	sst s0  }
0x9: {  	[smem:$0x3FA7] =	sst s1  }
0xa: {  	[smem:$0x3FA8] =	sst s2  }
0xb: {  	[smem:$0x3FA9] =	sst s3  }
0xc: {  	[smem:$0x3FAA] =	sst s4  }
0xd: {  	[smem:$0x3FAB] =	sst s5  }
0xe: {  	[smem:$0x3FAC] =	sst s6  }
0xf: {  	[smem:$0x3FAD] =	sst s7  }
0x10: {  	[smem:$0x3FAE] =	sst s8  }
0x11: {  	[smem:$0x3FAF] =	sst s9;
	s0 =	simm.s32 @!p0 $0x0  }
0x12: {  	s1 =	sld [smem:$0x3F95];
	s0 =	simm.s32 @p0 $0x1  }
0x13: {  	[smem:$0x3FB0] =	sst s0;
	s0 =	simm.s32 @!p1 $0x0  }
0x14: {  	s2 =	sld [smem:$0x3F94];
	s0 =	simm.s32 @p1 $0x1  }
0x15: {  	[smem:$0x3FB1] =	sst s0;
	s0 =	simm.s32 @!p2 $0x0  }
0x16: {  	s3 =	sld [smem:$0x3FDB];
	s0 =	simm.s32 @p2 $0x1  }
0x17: {  	s4 =	simm.s32 $0x1BF5;
	[smem:$0x3FB3] =	sst s0  }
0x18: {  	s0 =	sld [smem:$0x3F96];
	_ =	swait.ge [sflag:s4], $0x0  }
0x19: {  	s7 =	sld [smem:$0x3F97]  }
0x1a: {  	s8 =	sadd.s32 $0xFFFFE003, lr  }
0x1b: {  	s9 =	sadd.s32 $0xFFFFFEF7, lr;
	s5 =	simm.s32 $0xFFFFFFFF;
	p2 =	slt.u32 s8, $0xFFFFF086  }
0x1c: {  	p1 =	slt.u32 s9, $0xF7A;
	s5 =	simm.s32 @!p2 $0x0  }
0x1d: {  	s5 =	simm.s32 @p1 $0x1;
	p0 =	seq.s32 s7, s2  }
0x1e: {  	s7 =	smul.u32 @!p0 $0xF7A, s2;
	p2 =	seq.s32 @!p0 s5, $0x0  }
0x1f: {  	s9 =	smul.u32 $0xF7A, s1;
	s8 =	simm.s32 @!p0 $0x1BF5;
	p2 =	por !p2, p0  }
0x20: {  	[sflag:s8] =	ssyncset.s32 @!p0 $0xFFFFF086;
	s6 =	sadd.s32 @!p0 s3, s7;
	s7 =	simm.s32 @!p0 $0x108  }
0x21: {  	s3 =	sadd.s32 s3, s9;
	s6 =	sadd.s32 @!p0 $0x88, s6;
	s7 =	simm.s32 @p2 $0x1082  }
0x22: {  	[simem:s7], [sflag:s8] =	dma.local @!p0 [hbm:s6], $0xF7A  }
0x23: {  	s9 =	sor.u32 $0xD0000000, s2;
	s6 =	simm.s32 $0x108;
	_ =	swait.ge @!p0 [sflag:s8], $0x0  }
0x24: {  	s3 =	sadd.s32 $0x88, s3;
	s6 =	simm.s32 @!p1 $0x1082;
	[sflag:s4] =	ssyncset.s32 $0xFFFFF086  }
0x25: {  	[simem:s6], [sflag:s4] =	dma.local [hbm:s3], $0xF7A  }
0x26: {  	[smem:$0x3F97] =	sst s1;
	(tag) =	ssettag s2;
	_ =	strace s9  }
0x27: {  	s1 =	sld [smem:$0x3FA7]  }
0x28: {  	s2 =	sld [smem:$0x3FA8]  }
0x29: {  	s4 =	sld [smem:$0x3FAA]  }
0x2a: {  	p0 =	seq.s32 s5, $0x0;
	s5 =	sld [smem:$0x3FAB]  }
0x2b: {  	s6 =	sld [smem:$0x3FAC]  }
0x2c: {  	s7 =	sld [smem:$0x3FAD]  }
0x2d: {  	s3 =	simm.s32 $0x108;
	s8 =	sld [smem:$0x3FAE]  }
0x2e: {  	s3 =	simm.s32 @!p0 $0x1082;
	s9 =	sld [smem:$0x3FAF]  }
0x2f: {  	lr =	sadd.s32 s0, s3;
	s0 =	sld [smem:$0x3FA6]  }
0x30: {  	s3 =	sld [smem:$0x3FA9]  }
0x31: {  	[smem:$0x3FB2] =	sst s10  }
0x32: {  	s10 =	sld [smem:$0x3FB0];
	_ =	sdelay $0x3  }
0x33: {  	p0 =	seq.s32 s10, $0x1;
	s10 =	sld [smem:$0x3FB2];
	_ =	sdelay $0x3  }
0x34: {  	[smem:$0x3FB2] =	sst s10  }
0x35: {  	s10 =	sld [smem:$0x3FB1];
	_ =	sdelay $0x3  }
0x36: {  	p1 =	seq.s32 s10, $0x1;
	s10 =	sld [smem:$0x3FB2];
	_ =	sdelay $0x3  }
0x37: {  	[smem:$0x3FB2] =	sst s10  }
0x38: {  	s10 =	sld [smem:$0x3FB3]  }
0x39: {  	_ = 	snop;
	(pc) =	sbr.ind lr, $3  }
0x3a: {  	_ = 	snop  }
0x3b: {  	_ = 	snop  }
0x3c: {  	p2 =	seq.s32 s10, $0x1;
	s10 =	sld [smem:$0x3FB2]  }
0x3d: {  	_ =	shalt  }
0x3e: {  	_ =	shalt  }
0x3f: {  	_ =	shalt  }
0x40: {  	_ =	shalt  }
0x41: {  	_ =	shalt  }
0x42: {  	_ =	shalt  }
0x43: {  	_ =	shalt  }
0x44: {  	_ =	shalt  }
0x45: {  	_ =	shalt  }
0x46: {  	_ =	shalt  }
0x47: {  	_ =	shalt  }
0x48: {  	_ =	shalt  }
0x49: {  	_ =	shalt  }
0x4a: {  	_ =	shalt  }
0x4b: {  	_ =	shalt  }
0x4c: {  	_ =	shalt  }
0x4d: {  	_ =	shalt  }
0x4e: {  	_ =	shalt  }
0x4f: {  	_ =	shalt  }
0x50: {  	_ =	shalt  }
0x51: {  	_ =	shalt  }
0x52: {  	_ =	shalt  }
0x53: {  	_ =	shalt  }
0x54: {  	_ =	shalt  }
0x55: {  	_ =	shalt  }
0x56: {  	_ =	shalt  }
0x57: {  	_ =	shalt  }
0x58: {  	_ =	shalt  }
0x59: {  	_ =	shalt  }
0x5a: {  	_ =	shalt  }
0x5b: {  	_ =	shalt  }
0x5c: {  	_ =	shalt  }
0x5d: {  	_ =	shalt  }
0x5e: {  	_ =	shalt  }
0x5f: {  	_ =	shalt  }
0x60: {  	_ =	shalt  }
0x61: {  	_ =	shalt  }
0x62: {  	_ =	shalt  }
0x63: {  	_ =	shalt  }
0x64: {  	_ =	shalt  }
0x65: {  	_ =	shalt  }
0x66: {  	_ =	shalt  }
0x67: {  	_ =	shalt  }
0x68: {  	_ =	shalt  }
0x69: {  	_ =	shalt  }
0x6a: {  	_ =	shalt  }
0x6b: {  	_ =	shalt  }
0x6c: {  	_ =	shalt  }
0x6d: {  	_ =	shalt  }
0x6e: {  	_ =	shalt  }
0x6f: {  	_ =	shalt  }
0x70: {  	_ =	shalt  }
0x71: {  	_ =	shalt  }
0x72: {  	_ =	shalt  }
0x73: {  	_ =	shalt  }
0x74: {  	_ =	shalt  }
0x75: {  	_ =	shalt  }
0x76: {  	_ =	shalt  }
0x77: {  	_ =	shalt  }
0x78: {  	_ =	shalt  }
0x79: {  	_ =	shalt  }
0x7a: {  	_ =	shalt  }
0x7b: {  	_ =	shalt  }
0x7c: {  	_ =	shalt  }
0x7d: {  	_ =	shalt  }
0x7e: {  	_ =	shalt  }
0x7f: {  	_ =	shalt  }
0x80: {  	_ =	shalt  }
0x81: {  	_ =	shalt  }
0x82: {  	_ =	shalt  }
0x83: {  	_ =	shalt  }
0x84: {  	_ =	shalt  }
0x85: {  	_ =	shalt  }
0x86: {  	_ =	shalt  }
0x87: {  	_ =	shalt  }
.Lfunc_end0:
.L_simem_size_0:
called_computation_lowered:
.L_overlay_start_0:
0x88: {  	s2 =	sld [smem:$0x3FD9]  }
0x89: {  	s3 =	sld [smem:$0x3FFE];
	_ =	sdelay $0x1  }
0x8a: {  	s1 =	srdreg.scid  }
0x8b: {  	s0 =	sand.u32 $0x1, s1  }
0x8c: {  	s14 =	sshll.u32 s0, $0xA;
	s2 =	sadd.s32 s3, s2  }
0x8d: {  	s2 =	sadd.s32 s2, s14  }
0x8e: {  	[smem:$0x3FBE] =	sst s2  }
0x8f: {  	_ = 	snop  }
0x90: {  	s2 =	sld [smem:$0x3FD0];
	_ =	sdelay $0x2  }
0x91: {  	s15 =	simm.s32 $0xA;
	s4 =	simm.s32 $0x10  }
0x92: {  	[smem:s4], [sflag:s15] =	dma.local [hbm:s2], $0x1  }
0x93: {  	_ =	swait.eq [sflag:s15], $0x1  }
0x94: {  	[sflag:s15] =	ssyncset.done $0x0  }
0x95: {  	[sflag:s15] =	ssyncadd.s32 $0xFFFFFFFF  }
0x96: {  	s16 =	sld [smem:$0x10];
	(tm) =	ssettm $0x1  }
0x97: {  	s17 =	sld [smem:$0x3FFB];
	_ =	sdelay $0x3  }
0x98: {  	_ =	strace s17  }
0x99: {  	s3 =	sld [smem:$0x3FFC];
	_ =	sdelay $0x3  }
0x9a: {  	_ =	strace s3  }
0x9b: {  	s3 =	sld [smem:$0x3FFD];
	_ =	sdelay $0x3  }
0x9c: {  	_ =	strace s3  }
0x9d: {  	_ =	strace $0x8FFFFFFF  }
0x9e: {  	s18 =	sld [smem:$0x3FDB];
	_ =	sdelay $0x1  }
0x9f: {  	s19 =	simm.s32 $_scs_section_size  }
0xa0: {  	s5 =	simm.s32 $_size__tile_overlayer_lowered;
	s6 =	simm.s32 $_tile_overlayer_lowered  }
0xa1: {  	s22 =	simm.s32 $0x1BFF;
	s21 =	sshll.u32 s6, $0x1;
	s3 =	sadd.s32 s19, s18  }
0xa2: {  	s7 =	simm.s32 $0x0;
	s20 =	sshll.u32 s5, $0x1;
	s5 =	sadd.s32 s21, s3  }
0xa3: {  	[timem:s7], [sflag:s22] =	dma.local [hbm:s5], s20  }
0xa4: {  	_ =	swait.ge [sflag:s22], s20  }
0xa5: {  	s4 =	ssub.s32 $0x0, s20;
	[sflag:s22] =	ssyncset.done $0x0  }
0xa6: {  	[sflag:s22] =	ssyncadd.s32 s4;
	_ =	sdelay $0x1  }
0xa7: {  	s23 =	simm.s32 $0x1B8B  }
0xa8: {  	_ =	swait.ge [sflag:s23], $0x1  }
0xa9: {  	[sflag:s23] =	ssyncset.done $0x0  }
0xaa: {  	s25 =	simm.s32 $0x1B8E;
	s24 =	sld [smem:$0x3FFE];
	[sflag:s23] =	ssyncadd.s32 $0xFFFFFFFF  }
0xab: {  	s26 =	simm.s32 $execute0_lowered;
	[smem:$0x3FD2] =	sst s25  }
0xac: {  	s5 =	sshll.u32 s26, $0x1;
	_ =	strace $0x80000046;
	[dreg:$0x1] =	wrdreg $0xFFFFFFFF  }
0xad: {  	s28 =	simm.s32 $_size_execute0_lowered;
	s3 =	sadd.s32 s3, s5;
	[dreg:$0x0] =	wrdreg $0x0  }
0xae: {  	s5 =	sshll.u32 s28, $0x1;
	[dreg:$0x2] =	wrdreg s3  }
0xaf: {  	[dreg:$0x3] =	wrdreg s5  }
0xb0: {  	[dreg:$0x4] =	wrdreg $0xC0  }
0xb1: {  	_ =	task [dreg:s7], $0x5FFFF  }
0xb2: {  	[dreg:$0x1] =	wrdreg $0xFFFFFFFF  }
0xb3: {  	[dreg:$0x0] =	wrdreg $0x60  }
0xb4: {  	[dreg:$0x2] =	wrdreg s24  }
0xb5: {  	[dreg:$0x3] =	wrdreg s16  }
0xb6: {  	[dreg:$0x4] =	wrdreg $0x28800  }
0xb7: {  	[dreg:$0x5] =	wrdreg $0x9  }
0xb8: {  	_ =	task.clear_ibuf [dreg:s7], $0x6FFFF;
	_ =	strace $0x90000046  }
0xb9: {  	s29 =	simm.s32 $0x9;
	_ =	strace $0x80000048  }
0xba: {  	_ =	swait.ge [sflag:s29], $0x1  }
0xbb: {  	[sflag:s29] =	ssyncadd.s32 $0xFFFFFFFF  }
0xbc: {  	_ =	strace $0x90000048  }
0xbd: {  	_ =	sfence  }
0xbe: {  	s30 =	sld [smem:$0x0];
	_ =	sdelay $0x2  }
0xbf: {  	s31 =	sshll.u32 s1, $0xD;
	s1 =	sshrl.u32 s1, $0x2  }
0xc0: {  	s3 =	sand.u32 $0x4000, s31;
	s1 =	sadd.s32 s1, s30  }
0xc1: {  	s0 =	sor.u32 s3, s0;
	s1 =	sshll.u32 s1, $0x11  }
0xc2: {  	s0 =	sor.u32 s1, s0  }
0xc3: {  	s0 =	sadd.s32 $0x8F2B, s0  }
0xc4: {  	[sflag:s0] =	ssyncadd.remote.s32 $0x1  }
0xc5: {  	_ =	sfence.sel $0xFFFF  }
0xc6: {  	[dreg:$0x0] =	wrdreg $0xFFFFFFFF;
	(pc) =	sbr.abs _section_cstart, $3  }
0xc7: {  	[dreg:$0x1] =	wrdreg $0xFFFFFFFF  }
0xc8: {  	_ =	task.clear_ibuf [dreg:s7], $0x2FFFF;
	_ =	strace $0x9FFFFFFF  }
0xc9: {  	(tm) =	ssettm $0x7FFFFFFF  }
tec
execute0_lowered:
.L_overlay_start_1:
0x0: {  	(tag) =	ssettag $0x1  }
0x1: {  	s5 =	rddreg [dreg:$0x0]  }
0x2: {  	s2 =	rddreg [dreg:$0x1]  }
0x3: {  	s3 =	rddreg [dreg:$0x2];
	s4 =	srdreg.scid  }
0x4: {  	s0 =	rddreg [dreg:$0x3];
	s1 =	stileid.u32;
	s11 =	simm.s32 $0x80  }
0x5: {  	s12 =	simm.s32 $0x2800;
	s13 =	simm.s32 $0x20;
	s14 =	simm.s32 $0x10  }
0x6: {  	s15 =	simm.s32 $0x0;
	s6 =	sand.u32 $0x1, s4;
	s8 =	smul.u32 $0x500, s1  }
0x7: {  	s4 =	simm.s32 $0x0;
	s28 =	smul.u32 $0xA00, s1;
	s31 =	sshll.u32 s1, $0x6  }
0x8: {  	s7 =	sshll.u32 s6, $0x4;
	[smem:$0x7FF] =	sst s4;
	s9 =	sshll.u32 s6, $0x7  }
0x9: {  	s6 =	ssub.s32 $0x2, s6;
	s7 =	sor.u32 s1, s7;
	_ =	strace $0x80000047  }
0xa: {  	s8 =	sor.u32 s9, s8;
	s29 =	sshrl.u32 s6, $0x1;
	s7 =	smul.u32 $0x500, s7  }
0xb: {  	s30 =	sshrl.u32 s28, $0x2;
	s8 =	sshrl.u32 s8, $0x3;
	s10 =	ssub.s32 s6, s29  }
0xc: {  	s9 =	sadd.s32 s30, s3;
	s8 =	sadd.s32 s8, s5;
	s7 =	sadd.s32 s7, s5  }
0xd: {  	s9 =	sshrl.u32 s9, $0x3;
	s5 =	sor.u32 $0x1C01, s31;
	s6 =	sadd.s32 $0x2000, s7  }
0xe: {  	v0 =	vimm.f32 $1.000000000e+00;
	s7 =	sadd.s32 $0xC000, s8;
	s8 =	smax.u32 s10, $0x1;
	s10 =	simm.s32 $0x1  }
.LBB2_1:
0xf: {  	[tilespmem:$0x2800] =	vst v0  }
0x10: {  	[tilespmem:$0x2810] =	vst v0  }
0x11: {  	[tilespmem:$0x2820] =	vst v0  }
0x12: {  	[tilespmem:$0x2830] =	vst v0  }
0x13: {  	[tilespmem:$0x2840] =	vst v0  }
0x14: {  	[tilespmem:$0x2850] =	vst v0  }
0x15: {  	[tilespmem:$0x2860] =	vst v0  }
0x16: {  	[tilespmem:$0x2870] =	vst v0  }
0x17: {  	[spmem:s9], [sflag:s5] =	dma.local [hbm:s2], $0x50  }
0x18: {  	_ =	swait.ge [sflag:s10], $0x50  }
0x19: {  	[sflag:s10] =	ssyncset.done $0x0  }
0x1a: {  	[sflag:s10] =	ssyncadd.s32 $0xFFFFFFB0  }
0x1b: {  	[tilespmem:s4], [sflag:$0x1] =	stream.linear.gather [hbm4b:s6+s4], $0x2780, $0x38;
	[tilespmem:$0x2B00] =	vst v63  }
0x1c: {  	_ =	swait.ge [sflag:s10], $0x2780  }
0x1d: {  	[sflag:s10] =	ssyncset.done $0x0  }
0x1e: {  	[sflag:s10] =	ssyncadd.s32 $0xFFFFD880  }
0x1f: {  	s16 =	simm.s32 $0x0;
	[bflag:$0x0] =	sbarrier.arrive $0xFFFF  }
0x20: {  	[spmem:s3] =	stream.indirect.scatter.add.f32 [tilespmem:s12], [sflag:$0x1], $0x1, s16, s11, $0xb8;
	[tilespmem:$0x2B00] =	vst v63  }
0x21: {  	_ =	swait.ge [sflag:s10], $0x80  }
0x22: {  	s16 =	simm.s32 $0x200;
	[sflag:s10] =	ssyncset.done $0x0  }
.LBB2_2:
0x23: {  	s17 =	sshra.s32 s16, $0x2;
	[sflag:s10] =	ssyncadd.s32 $0xFFFFFF80;
	p0 =	sne.s32 s16, $0x9C00  }
0x24: {  	[spmem:s3] =	stream.indirect.scatter.add.f32 [tilespmem:s12], [sflag:$0x1], $0x1, s17, s11, $0xb8;
	[tilespmem:$0x2B00] =	vst v63  }
.Ltmp0:
0x25: {  	_ = 	snop;
	(pc) =	sbr.rel @p0 .LBB2_2-.Ltmp0, $4  }
0x26: {  	_ = 	snop  }
0x27: {  	s16 =	sadd.s32 $0x200, s16  }
0x28: {  	_ =	swait.ge [sflag:s10], $0x80  }
0x29: {  	[sflag:s10] =	ssyncset.done $0x0  }
0x2a: {  	s15 =	sadd.s32 $0x1, s15  }
0x2b: {  	[sflag:s10] =	ssyncadd.s32 $0xFFFFFF80;
	p0 =	sne.s32 s15, s8  }
.Ltmp1:
0x2c: {  	[bflag:$0x0] =	sbarrier.arrive $0xFFFF;
	(pc) =	sbr.rel @p0 .LBB2_1-.Ltmp1, $4  }
0x2d: {  	[hbm:s7@s13], [sflag:s5] =	dma.strided [spmem:s9@s14], $0x50, s10, $0x10   }
0x2e: {  	_ =	swait.ge [sflag:s10], $0x50  }
0x2f: {  	[sflag:s10] =	ssyncset.done $0x0  }
0x30: {  	[sflag:s10] =	ssyncadd.s32 $0xFFFFFFB0  }
0x31: {  	_ =	sfence.sel $0x180000  }
0x32: {  	[bflag:$0x0] =	sbarrier.arrive $0xFFFF  }
0x33: {  	p0 =	sne.s32 s1, $0x0;
	_ =	strace $0x90000047  }
0x34: {  	s0 =	sadd.s32 @!p0 $0x100000, s0;
	[bflag:$0x2] =	sbarrier.arrive $0xFFFF  }
0x35: {  	[sflag:s0] =	ssyncadd.tile.s32 @!p0 $0x1;
	_ =	shalt  }
.Lfunc_end2:
_tile_overlayer_lowered:
.L_overlay_start_2:
0x36: {  	(tag) =	ssettag $0x2  }
0x37: {  	s0 =	rddreg [dreg:$0x0];
	s2 =	stileid.u32  }
0x38: {  	s1 =	rddreg [dreg:$0x1];
	p0 =	sne.s32 s2, $0x0  }
0x39: {  	s3 =	rddreg [dreg:$0x2];
	[bflag:$0x3] =	sbarrier.arrive $0xFFFF;
	s2 =	simm.s32 @!p0 $0x1C01  }
0x3a: {  	[timem:s3], [sflag:s2] =	dma.local @!p0 [hbm:s0], s1  }
0x3b: {  	s0 =	simm.s32 @!p0 $0x1  }
0x3c: {  	_ =	swait.ge @!p0 [sflag:s0], s1  }
0x3d: {  	s1 =	ssub.s32 @!p0 $0x0, s1;
	[sflag:s0] =	ssyncset.done @!p0 $0x0  }
0x3e: {  	[sflag:s0] =	ssyncadd.s32 @!p0 s1  }
0x3f: {  	[bflag:$0x3] =	sbarrier.arrive $0xFFFF  }
0x40: {  	_ =	shalt  }

// kernel: kernel.9.cloned.1.call-start
scs
__scs_entry_jumppad:
0x0: {  	(pc) =	sbr.rel $0x88, $3  }
0x1: {  	(tag) =	ssettag $0x0;
	lr =	simm.s32 $0x1  }
0x2: {  	[smem:$0x3F97] =	sst lr;
	_ =	strace $0xD0000000  }
0x3: {  	_ = 	snop  }
0x4: {  	_ = 	snop  }
0x5: {  	_ = 	snop  }
0x6: {  	_ = 	snop  }
0x7: {  	_ = 	snop  }
__scs_overlays_trampoline_lowered:
0x8: {  	[smem:$0x3FA6] =	sst s0  }
0x9: {  	[smem:$0x3FA7] =	sst s1  }
0xa: {  	[smem:$0x3FA8] =	sst s2  }
0xb: {  	[smem:$0x3FA9] =	sst s3  }
0xc: {  	[smem:$0x3FAA] =	sst s4  }
0xd: {  	[smem:$0x3FAB] =	sst s5  }
0xe: {  	[smem:$0x3FAC] =	sst s6  }
0xf: {  	[smem:$0x3FAD] =	sst s7  }
0x10: {  	[smem:$0x3FAE] =	sst s8  }
0x11: {  	[smem:$0x3FAF] =	sst s9;
	s0 =	simm.s32 @!p0 $0x0  }
0x12: {  	s1 =	sld [smem:$0x3F95];
	s0 =	simm.s32 @p0 $0x1  }
0x13: {  	[smem:$0x3FB0] =	sst s0;
	s0 =	simm.s32 @!p1 $0x0  }
0x14: {  	s2 =	sld [smem:$0x3F94];
	s0 =	simm.s32 @p1 $0x1  }
0x15: {  	[smem:$0x3FB1] =	sst s0;
	s0 =	simm.s32 @!p2 $0x0  }
0x16: {  	s3 =	sld [smem:$0x3FDB];
	s0 =	simm.s32 @p2 $0x1  }
0x17: {  	s4 =	simm.s32 $0x1BF5;
	[smem:$0x3FB3] =	sst s0  }
0x18: {  	s0 =	sld [smem:$0x3F96];
	_ =	swait.ge [sflag:s4], $0x0  }
0x19: {  	s7 =	sld [smem:$0x3F97]  }
0x1a: {  	s8 =	sadd.s32 $0xFFFFE003, lr  }
0x1b: {  	s9 =	sadd.s32 $0xFFFFFEF7, lr;
	s5 =	simm.s32 $0xFFFFFFFF;
	p2 =	slt.u32 s8, $0xFFFFF086  }
0x1c: {  	p1 =	slt.u32 s9, $0xF7A;
	s5 =	simm.s32 @!p2 $0x0  }
0x1d: {  	s5 =	simm.s32 @p1 $0x1;
	p0 =	seq.s32 s7, s2  }
0x1e: {  	s7 =	smul.u32 @!p0 $0xF7A, s2;
	p2 =	seq.s32 @!p0 s5, $0x0  }
0x1f: {  	s9 =	smul.u32 $0xF7A, s1;
	s8 =	simm.s32 @!p0 $0x1BF5;
	p2 =	por !p2, p0  }
0x20: {  	[sflag:s8] =	ssyncset.s32 @!p0 $0xFFFFF086;
	s6 =	sadd.s32 @!p0 s3, s7;
	s7 =	simm.s32 @!p0 $0x108  }
0x21: {  	s3 =	sadd.s32 s3, s9;
	s6 =	sadd.s32 @!p0 $0x88, s6;
	s7 =	simm.s32 @p2 $0x1082  }
0x22: {  	[simem:s7], [sflag:s8] =	dma.local @!p0 [hbm:s6], $0xF7A  }
0x23: {  	s9 =	sor.u32 $0xD0000000, s2;
	s6 =	simm.s32 $0x108;
	_ =	swait.ge @!p0 [sflag:s8], $0x0  }
0x24: {  	s3 =	sadd.s32 $0x88, s3;
	s6 =	simm.s32 @!p1 $0x1082;
	[sflag:s4] =	ssyncset.s32 $0xFFFFF086  }
0x25: {  	[simem:s6], [sflag:s4] =	dma.local [hbm:s3], $0xF7A  }
0x26: {  	[smem:$0x3F97] =	sst s1;
	(tag) =	ssettag s2;
	_ =	strace s9  }
0x27: {  	s1 =	sld [smem:$0x3FA7]  }
0x28: {  	s2 =	sld [smem:$0x3FA8]  }
0x29: {  	s4 =	sld [smem:$0x3FAA]  }
0x2a: {  	p0 =	seq.s32 s5, $0x0;
	s5 =	sld [smem:$0x3FAB]  }
0x2b: {  	s6 =	sld [smem:$0x3FAC]  }
0x2c: {  	s7 =	sld [smem:$0x3FAD]  }
0x2d: {  	s3 =	simm.s32 $0x108;
	s8 =	sld [smem:$0x3FAE]  }
0x2e: {  	s3 =	simm.s32 @!p0 $0x1082;
	s9 =	sld [smem:$0x3FAF]  }
0x2f: {  	lr =	sadd.s32 s0, s3;
	s0 =	sld [smem:$0x3FA6]  }
0x30: {  	s3 =	sld [smem:$0x3FA9]  }
0x31: {  	[smem:$0x3FB2] =	sst s10  }
0x32: {  	s10 =	sld [smem:$0x3FB0];
	_ =	sdelay $0x3  }
0x33: {  	p0 =	seq.s32 s10, $0x1;
	s10 =	sld [smem:$0x3FB2];
	_ =	sdelay $0x3  }
0x34: {  	[smem:$0x3FB2] =	sst s10  }
0x35: {  	s10 =	sld [smem:$0x3FB1];
	_ =	sdelay $0x3  }
0x36: {  	p1 =	seq.s32 s10, $0x1;
	s10 =	sld [smem:$0x3FB2];
	_ =	sdelay $0x3  }
0x37: {  	[smem:$0x3FB2] =	sst s10  }
0x38: {  	s10 =	sld [smem:$0x3FB3]  }
0x39: {  	_ = 	snop;
	(pc) =	sbr.ind lr, $3  }
0x3a: {  	_ = 	snop  }
0x3b: {  	_ = 	snop  }
0x3c: {  	p2 =	seq.s32 s10, $0x1;
	s10 =	sld [smem:$0x3FB2]  }
0x3d: {  	_ =	shalt  }
0x3e: {  	_ =	shalt  }
0x3f: {  	_ =	shalt  }
0x40: {  	_ =	shalt  }
0x41: {  	_ =	shalt  }
0x42: {  	_ =	shalt  }
0x43: {  	_ =	shalt  }
0x44: {  	_ =	shalt  }
0x45: {  	_ =	shalt  }
0x46: {  	_ =	shalt  }
0x47: {  	_ =	shalt  }
0x48: {  	_ =	shalt  }
0x49: {  	_ =	shalt  }
0x4a: {  	_ =	shalt  }
0x4b: {  	_ =	shalt  }
0x4c: {  	_ =	shalt  }
0x4d: {  	_ =	shalt  }
0x4e: {  	_ =	shalt  }
0x4f: {  	_ =	shalt  }
0x50: {  	_ =	shalt  }
0x51: {  	_ =	shalt  }
0x52: {  	_ =	shalt  }
0x53: {  	_ =	shalt  }
0x54: {  	_ =	shalt  }
0x55: {  	_ =	shalt  }
0x56: {  	_ =	shalt  }
0x57: {  	_ =	shalt  }
0x58: {  	_ =	shalt  }
0x59: {  	_ =	shalt  }
0x5a: {  	_ =	shalt  }
0x5b: {  	_ =	shalt  }
0x5c: {  	_ =	shalt  }
0x5d: {  	_ =	shalt  }
0x5e: {  	_ =	shalt  }
0x5f: {  	_ =	shalt  }
0x60: {  	_ =	shalt  }
0x61: {  	_ =	shalt  }
0x62: {  	_ =	shalt  }
0x63: {  	_ =	shalt  }
0x64: {  	_ =	shalt  }
0x65: {  	_ =	shalt  }
0x66: {  	_ =	shalt  }
0x67: {  	_ =	shalt  }
0x68: {  	_ =	shalt  }
0x69: {  	_ =	shalt  }
0x6a: {  	_ =	shalt  }
0x6b: {  	_ =	shalt  }
0x6c: {  	_ =	shalt  }
0x6d: {  	_ =	shalt  }
0x6e: {  	_ =	shalt  }
0x6f: {  	_ =	shalt  }
0x70: {  	_ =	shalt  }
0x71: {  	_ =	shalt  }
0x72: {  	_ =	shalt  }
0x73: {  	_ =	shalt  }
0x74: {  	_ =	shalt  }
0x75: {  	_ =	shalt  }
0x76: {  	_ =	shalt  }
0x77: {  	_ =	shalt  }
0x78: {  	_ =	shalt  }
0x79: {  	_ =	shalt  }
0x7a: {  	_ =	shalt  }
0x7b: {  	_ =	shalt  }
0x7c: {  	_ =	shalt  }
0x7d: {  	_ =	shalt  }
0x7e: {  	_ =	shalt  }
0x7f: {  	_ =	shalt  }
0x80: {  	_ =	shalt  }
0x81: {  	_ =	shalt  }
0x82: {  	_ =	shalt  }
0x83: {  	_ =	shalt  }
0x84: {  	_ =	shalt  }
0x85: {  	_ =	shalt  }
0x86: {  	_ =	shalt  }
0x87: {  	_ =	shalt  }
.Lfunc_end0:
.L_simem_size_0:
called_computation.1_lowered:
.L_overlay_start_0:
0x88: {  	s2 =	sld [smem:$0x3FD9]  }
0x89: {  	s3 =	sld [smem:$0x3FFE];
	_ =	sdelay $0x1  }
0x8a: {  	s1 =	srdreg.scid  }
0x8b: {  	s0 =	sand.u32 $0x1, s1  }
0x8c: {  	s16 =	sshll.u32 s0, $0xA;
	s2 =	sadd.s32 s3, s2  }
0x8d: {  	s2 =	sadd.s32 s2, s16  }
0x8e: {  	[smem:$0x3FBE] =	sst s2  }
0x8f: {  	_ = 	snop  }
0x90: {  	(tm) =	ssettm $0x1  }
0x91: {  	s17 =	sld [smem:$0x3FFB];
	_ =	sdelay $0x3  }
0x92: {  	_ =	strace s17  }
0x93: {  	s2 =	sld [smem:$0x3FFC];
	_ =	sdelay $0x3  }
0x94: {  	_ =	strace s2  }
0x95: {  	s2 =	sld [smem:$0x3FFD];
	_ =	sdelay $0x3  }
0x96: {  	_ =	strace s2  }
0x97: {  	_ =	strace $0x8FFFFFFF  }
0x98: {  	s18 =	sld [smem:$0x3FDB];
	_ =	sdelay $0x1  }
0x99: {  	s19 =	simm.s32 $_scs_section_size  }
0x9a: {  	s4 =	simm.s32 $_size__tile_overlayer_lowered;
	s5 =	simm.s32 $_tile_overlayer_lowered  }
0x9b: {  	s22 =	simm.s32 $0x1BFF;
	s21 =	sshll.u32 s5, $0x1;
	s2 =	sadd.s32 s19, s18  }
0x9c: {  	s6 =	simm.s32 $0x0;
	s20 =	sshll.u32 s4, $0x1;
	s4 =	sadd.s32 s21, s2  }
0x9d: {  	[timem:s6], [sflag:s22] =	dma.local [hbm:s4], s20  }
0x9e: {  	_ =	swait.ge [sflag:s22], s20  }
0x9f: {  	s3 =	ssub.s32 $0x0, s20;
	[sflag:s22] =	ssyncset.done $0x0  }
0xa0: {  	[sflag:s22] =	ssyncadd.s32 s3;
	_ =	sdelay $0x1  }
0xa1: {  	s23 =	simm.s32 $0x1B8B  }
0xa2: {  	_ =	swait.ge [sflag:s23], $0x1  }
0xa3: {  	[sflag:s23] =	ssyncset.done $0x0  }
0xa4: {  	s25 =	simm.s32 $0x1B8E;
	s24 =	sld [smem:$0x3FFE];
	[sflag:s23] =	ssyncadd.s32 $0xFFFFFFFF  }
0xa5: {  	s26 =	simm.s32 $execute0_lowered;
	[smem:$0x3FD2] =	sst s25  }
0xa6: {  	s4 =	sshll.u32 s26, $0x1;
	_ =	strace $0x80000049;
	[dreg:$0x1] =	wrdreg $0xFFFFFFFF  }
0xa7: {  	s28 =	simm.s32 $_size_execute0_lowered;
	s2 =	sadd.s32 s2, s4;
	[dreg:$0x0] =	wrdreg $0x0  }
0xa8: {  	s4 =	sshll.u32 s28, $0x1;
	[dreg:$0x2] =	wrdreg s2  }
0xa9: {  	[dreg:$0x3] =	wrdreg s4  }
0xaa: {  	[dreg:$0x4] =	wrdreg $0xC0  }
0xab: {  	_ =	task [dreg:s6], $0x5FFFF  }
0xac: {  	[dreg:$0x1] =	wrdreg $0xFFFFFFFF  }
0xad: {  	[dreg:$0x0] =	wrdreg $0x60  }
0xae: {  	[dreg:$0x2] =	wrdreg s24  }
0xaf: {  	[dreg:$0x3] =	wrdreg $0x82000  }
0xb0: {  	[dreg:$0x4] =	wrdreg $0x9  }
0xb1: {  	_ =	task.clear_ibuf [dreg:s6], $0x5FFFF;
	_ =	strace $0x90000049  }
0xb2: {  	s29 =	simm.s32 $0x9;
	_ =	strace $0x8000004B  }
0xb3: {  	_ =	swait.ge [sflag:s29], $0x1  }
0xb4: {  	[sflag:s29] =	ssyncadd.s32 $0xFFFFFFFF  }
0xb5: {  	_ =	strace $0x9000004B  }
0xb6: {  	_ =	sfence  }
0xb7: {  	s30 =	sld [smem:$0x0];
	_ =	sdelay $0x2  }
0xb8: {  	s31 =	sshll.u32 s1, $0xD;
	s1 =	sshrl.u32 s1, $0x2  }
0xb9: {  	s3 =	sand.u32 $0x4000, s31;
	s1 =	sadd.s32 s1, s30  }
0xba: {  	s0 =	sor.u32 s3, s0;
	s1 =	sshll.u32 s1, $0x11  }
0xbb: {  	s0 =	sor.u32 s1, s0  }
0xbc: {  	s0 =	sadd.s32 $0x8F2B, s0  }
0xbd: {  	[sflag:s0] =	ssyncadd.remote.s32 $0x1  }
0xbe: {  	_ =	sfence.sel $0xFFFF  }
0xbf: {  	[dreg:$0x0] =	wrdreg $0xFFFFFFFF;
	(pc) =	sbr.abs _section_cstart, $3  }
0xc0: {  	[dreg:$0x1] =	wrdreg $0xFFFFFFFF  }
0xc1: {  	_ =	task.clear_ibuf [dreg:s6], $0x2FFFF;
	_ =	strace $0x9FFFFFFF  }
0xc2: {  	(tm) =	ssettm $0x7FFFFFFF  }
0xc3: {  	_ =	shalt  }
tec
execute0_lowered:
.L_overlay_start_1:
0x0: {  	(tag) =	ssettag $0x1  }
0x1: {  	s0 =	rddreg [dreg:$0x0]  }
0x2: {  	s1 =	rddreg [dreg:$0x1];
	s3 =	simm.s32 $0x0;
	s22 =	stileid.u32  }
0x3: {  	s2 =	srdreg.scid;
	s16 =	simm.s32 $0x80;
	s8 =	smul.u32 $0x14000, s22  }
0x4: {  	s17 =	simm.s32 $0x200;
	s28 =	simm.s32 $0x2;
	s10 =	smul.u32 $0x50000, s22  }
0x5: {  	s29 =	simm.s32 $0x180;
	s30 =	simm.s32 $0x0;
	s12 =	smul.u32 $0x2800, s22  }
0x6: {  	[smem:$0x7FF] =	sst s3;
	s2 =	sand.u32 $0x1, s2;
	s15 =	smul.u32 $0x4F00, s22  }
0x7: {  	s4 =	sadd.s32 $0xCA00, s0;
	s5 =	sadd.s32 $0x20600, s0;
	s7 =	smul.u32 $0x140000, s2  }
0x8: {  	_ =	strace $0x8000004A;
	s6 =	sshll.u32 s2, $0x4;
	s20 =	ssub.s32 $0x2, s2  }
0x9: {  	s14 =	smul.u32 $0x4F000, s2;
	p0 =	seq.s32 s2, $0x1;
	s2 =	sadd.s32 $0x12C000, s1  }
0xa: {  	s9 =	sor.u32 s22, s6;
	s6 =	sadd.s32 $0x2000, s0;
	s21 =	sshrl.u32 s20, $0x1  }
0xb: {  	s24 =	sshrl.u32 s10, $0x2;
	s25 =	sadd.s32 s5, s12;
	s10 =	sadd.s32 $0x45E00, s0  }
0xc: {  	p2 =	seq.s32 @!p0 s22, $0xF;
	s7 =	sadd.s32 s8, s7;
	s19 =	smul.u32 $0x4F00, s9  }
0xd: {  	s13 =	ssub.s32 s20, s21;
	s8 =	sadd.s32 s24, s1;
	[dreg:$0x4] =	wrdreg s25  }
0xe: {  	s26 =	sadd.s32 s15, s14;
	s21 =	sadd.s32 $0x138800, s1;
	s15 =	simm.s32 $0x3  }
0xf: {  	p1 =	por !p2, p0;
	p2 =	por p2, p0;
	s24 =	simm.s32 $0x100  }
0x10: {  	s25 =	simm.s32 $0x4200;
	s7 =	sshrl.u32 s7, $0x3;
	s14 =	sadd.s32 $0x100, s26  }
0x11: {  	s12 =	smax.u32 s13, $0x1;
	s13 =	sadd.s32 $0x200, s26;
	s20 =	sshrl.u32 @!p1 s2, $0x3  }
0x12: {  	s21 =	sshrl.u32 @!p1 s21, $0x3;
	s26 =	simm.s32 $0x1;
	s11 =	sadd.s32 s7, s0  }
0x13: {  	s23 =	sshrl.u32 s19, $0x3;
	s31 =	sshrl.u32 s14, $0x3;
	s0 =	sshll.u32 @p0 s22, $0x6  }
0x14: {  	s19 =	sshrl.u32 @p0 s8, $0x3;
	s7 =	sadd.s32 s4, s23;
	s11 =	sadd.s32 $0x47800, s11  }
0x15: {  	s14 =	sadd.s32 s31, s4;
	s18 =	sor.u32 @p0 $0x1C03, s0;
	s0 =	sshll.u32 @!p2 s22, $0x6  }
0x16: {  	s23 =	sshrl.u32 @!p2 s8, $0x3;
	[dreg:$0x3] =	wrdreg s7;
	s22 =	sor.u32 @!p2 $0x1C03, s0  }
.LBB2_1:
0x17: {  	s0 =	rddreg [dreg:$0x3]  }
0x18: {  	[tilespmem:s3], [sflag:$0x3] =	stream.linear.gather [hbm4b:s0+s3], $0x100, $0x38;
	[tilespmem:$0x1C200] =	vst v63  }
0x19: {  	_ =	swait.ge [sflag:s15], $0x100  }
0x1a: {  	[sflag:s15] =	ssyncset.done $0x0  }
0x1b: {  	s0 =	simm.s32 @p0 $0x3;
	[sflag:s15] =	ssyncadd.s32 $0xFFFFFF00  }
0x1c: {  	[tilespmem:s17], [sflag:$0x1] =	stream.indirect.gather [hbm4b:s5+s16], $0x80, s3, s16, $0xb8;
	[tilespmem:$0x1C200] =	vst v63  }
0x1d: {  	[spmem:s19], [sflag:s18] =	dma.local @p0 [hbm:s6], $0x2800  }
0x1e: {  	_ =	swait.ge @p0 [sflag:s0], $0x2800  }
0x1f: {  	[sflag:s0] =	ssyncset.done @p0 $0x0  }
0x20: {  	s2 =	simm.s32 @!p1 $0x3;
	[sflag:s0] =	ssyncadd.s32 @p0 $0xFFFFD800;
	s0 =	simm.s32 @!p1 $0x1FC3  }
0x21: {  	[spmem:s20], [sflag:s0] =	dma.local @!p1 [hbm:s10], $0x1900  }
0x22: {  	_ =	swait.ge @!p1 [sflag:s2], $0x1900  }
0x23: {  	[sflag:s2] =	ssyncset.done @!p1 $0x0  }
0x24: {  	[sflag:s2] =	ssyncadd.s32 @!p1 $0xFFFFE700  }
0x25: {  	[spmem:s21], [sflag:s0] =	dma.local @!p1 [hbm:s6], $0xF00  }
0x26: {  	_ =	swait.ge @!p1 [sflag:s2], $0xF00  }
0x27: {  	[sflag:s2] =	ssyncset.done @!p1 $0x0  }
0x28: {  	s0 =	rddreg [dreg:$0x4];
	[sflag:s2] =	ssyncadd.s32 @!p1 $0xFFFFF100  }
0x29: {  	[spmem:s23], [sflag:s22] =	dma.local @!p2 [hbm:s0], $0x2800  }
0x2a: {  	s0 =	simm.s32 @!p2 $0x3  }
0x2b: {  	_ =	swait.ge @!p2 [sflag:s0], $0x2800  }
0x2c: {  	[sflag:s0] =	ssyncset.done @!p2 $0x0  }
0x2d: {  	[sflag:s0] =	ssyncadd.s32 @!p2 $0xFFFFD800  }
0x2e: {  	s7 =	sadd.s32 $0x0, s14;
	[bflag:$0x0] =	sbarrier.arrive $0xFFFF  }
0x2f: {  	[tilespmem:s24], [sflag:$0x3] =	stream.linear.gather [hbm4b:s7+s3], $0x100, $0x38;
	[tilespmem:$0x1C200] =	vst v63  }
0x30: {  	_ =	swait.ge [sflag:s15], $0x100  }
0x31: {  	[sflag:s15] =	ssyncset.done $0x0  }
0x32: {  	[sflag:s15] =	ssyncadd.s32 $0xFFFFFF00  }
0x33: {  	[tilespmem:s25], [sflag:$0x2] =	stream.indirect.gather [hbm4b:s5+s16], $0x80, s24, s16, $0xb8;
	[tilespmem:$0x1C200] =	vst v63  }
0x34: {  	_ =	swait.ge [sflag:s26], $0x4000  }
0x35: {  	[sflag:s26] =	ssyncset.done $0x0  }
0x36: {  	[sflag:s26] =	ssyncadd.s32 $0xFFFFC000  }
0x37: {  	[spmem:s1] =	stream.indirect.scatter.add.f32 [tilespmem:s17], [sflag:$0x3], $0x80, s16, s16, $0xb8;
	[tilespmem:$0x1C200] =	vst v63  }
0x38: {  	_ =	swait.ge [sflag:s15], $0x4000  }
0x39: {  	s9 =	sshrl.u32 s13, $0x3;
	[sflag:s15] =	ssyncset.done $0x0  }
0x3a: {  	s0 =	sadd.s32 s4, s9;
	[sflag:s15] =	ssyncadd.s32 $0xFFFFC000  }
0x3b: {  	[tilespmem:s3], [sflag:$0x3] =	stream.linear.gather [hbm4b:s0+s3], $0x100, $0x38;
	[tilespmem:$0x1C200] =	vst v63  }
0x3c: {  	_ =	swait.ge [sflag:s15], $0x100  }
0x3d: {  	[sflag:s15] =	ssyncset.done $0x0  }
0x3e: {  	[sflag:s15] =	ssyncadd.s32 $0xFFFFFF00  }
0x3f: {  	[tilespmem:s17], [sflag:$0x1] =	stream.indirect.gather [hbm4b:s5+s16], $0x80, s3, s16, $0xb8;
	[tilespmem:$0x1C200] =	vst v63  }
0x40: {  	_ =	swait.ge [sflag:s28], $0x4000  }
0x41: {  	[sflag:s28] =	ssyncset.done $0x0  }
0x42: {  	[sflag:s28] =	ssyncadd.s32 $0xFFFFC000  }
0x43: {  	[spmem:s1] =	stream.indirect.scatter.add.f32 [tilespmem:s25], [sflag:$0x3], $0x80, s29, s16, $0xb8;
	[tilespmem:$0x1C200] =	vst v63  }
0x44: {  	s31 =	sadd.s32 $0x200, s13;
	_ =	swait.ge [sflag:s15], $0x4000  }
0x45: {  	s2 =	simm.s32 $0x80;
	s0 =	simm.s32 $0x40;
	[sflag:s15] =	ssyncset.done $0x0  }
.LBB2_2:
0x46: {  	s7 =	sadd.s32 s0, s14  }
0x47: {  	[sflag:s15] =	ssyncadd.s32 $0xFFFFC000;
	s0 =	smov.u32 s2;
	s9 =	sadd.s32 $0x40, s2  }
0x48: {  	[tilespmem:s24], [sflag:$0x3] =	stream.linear.gather [hbm4b:s7+s3], $0x100, $0x38;
	[tilespmem:$0x1C200] =	vst v63  }
0x49: {  	p3 =	sne.s32 s2, $0x980;
	_ =	swait.ge [sflag:s15], $0x100  }
0x4a: {  	[sflag:s15] =	ssyncset.done $0x0  }
0x4b: {  	[sflag:s15] =	ssyncadd.s32 $0xFFFFFF00  }
0x4c: {  	[tilespmem:s25], [sflag:$0x2] =	stream.indirect.gather [hbm4b:s5+s16], $0x80, s24, s16, $0xb8;
	[tilespmem:$0x1C200] =	vst v63  }
0x4d: {  	_ =	swait.ge [sflag:s26], $0x4000  }
0x4e: {  	[sflag:s26] =	ssyncset.done $0x0  }
0x4f: {  	[sflag:s26] =	ssyncadd.s32 $0xFFFFC000  }
0x50: {  	[spmem:s1] =	stream.indirect.scatter.add.f32 [tilespmem:s17], [sflag:$0x3], $0x80, s16, s16, $0xb8;
	[tilespmem:$0x1C200] =	vst v63  }
0x51: {  	_ =	swait.ge [sflag:s15], $0x4000  }
0x52: {  	s2 =	sshrl.u32 s31, $0x3;
	[sflag:s15] =	ssyncset.done $0x0  }
0x53: {  	s2 =	sadd.s32 s4, s2;
	[sflag:s15] =	ssyncadd.s32 $0xFFFFC000  }
0x54: {  	[tilespmem:s3], [sflag:$0x3] =	stream.linear.gather [hbm4b:s2+s3], $0x100, $0x38;
	[tilespmem:$0x1C200] =	vst v63  }
0x55: {  	_ =	swait.ge [sflag:s15], $0x100  }
0x56: {  	[sflag:s15] =	ssyncset.done $0x0  }
0x57: {  	[sflag:s15] =	ssyncadd.s32 $0xFFFFFF00  }
0x58: {  	[tilespmem:s17], [sflag:$0x1] =	stream.indirect.gather [hbm4b:s5+s16], $0x80, s3, s16, $0xb8;
	[tilespmem:$0x1C200] =	vst v63  }
0x59: {  	_ =	swait.ge [sflag:s28], $0x4000  }
.Ltmp0:
0x5a: {  	[sflag:s28] =	ssyncset.done $0x0;
	(pc) =	sbr.rel @p3 .LBB2_2-.Ltmp0, $4  }
0x5b: {  	[sflag:s28] =	ssyncadd.s32 $0xFFFFC000  }
0x5c: {  	[spmem:s1] =	stream.indirect.scatter.add.f32 [tilespmem:s25], [sflag:$0x3], $0x80, s29, s16, $0xb8;
	[tilespmem:$0x1C200] =	vst v63  }
0x5d: {  	_ =	swait.ge [sflag:s15], $0x4000  }
0x5e: {  	s31 =	sadd.s32 $0x200, s31;
	s2 =	smov.u32 s9;
	[sflag:s15] =	ssyncset.done $0x0  }
0x5f: {  	s0 =	sadd.s32 s0, s14;
	[sflag:s15] =	ssyncadd.s32 $0xFFFFC000  }
0x60: {  	[tilespmem:s24], [sflag:$0x3] =	stream.linear.gather [hbm4b:s0+s3], $0x100, $0x38;
	[tilespmem:$0x1C200] =	vst v63  }
0x61: {  	_ =	swait.ge [sflag:s15], $0x100  }
0x62: {  	[sflag:s15] =	ssyncset.done $0x0  }
0x63: {  	[sflag:s15] =	ssyncadd.s32 $0xFFFFFF00  }
0x64: {  	[tilespmem:s25], [sflag:$0x2] =	stream.indirect.gather [hbm4b:s5+s16], $0x80, s24, s16, $0xb8;
	[tilespmem:$0x1C200] =	vst v63  }
0x65: {  	_ =	swait.ge [sflag:s26], $0x4000  }
0x66: {  	[sflag:s26] =	ssyncset.done $0x0  }
0x67: {  	[sflag:s26] =	ssyncadd.s32 $0xFFFFC000  }
0x68: {  	[spmem:s1] =	stream.indirect.scatter.add.f32 [tilespmem:s17], [sflag:$0x3], $0x80, s16, s16, $0xb8;
	[tilespmem:$0x1C200] =	vst v63  }
0x69: {  	_ =	swait.ge [sflag:s15], $0x4000  }
0x6a: {  	s9 =	sshrl.u32 s31, $0x3;
	[sflag:s15] =	ssyncset.done $0x0  }
0x6b: {  	s0 =	sadd.s32 s4, s9;
	[sflag:s15] =	ssyncadd.s32 $0xFFFFC000  }
0x6c: {  	[tilespmem:s3], [sflag:$0x3] =	stream.linear.gather [hbm4b:s0+s3], $0x100, $0x38;
	[tilespmem:$0x1C200] =	vst v63  }
0x6d: {  	_ =	swait.ge [sflag:s15], $0x100  }
0x6e: {  	[sflag:s15] =	ssyncset.done $0x0  }
0x6f: {  	[sflag:s15] =	ssyncadd.s32 $0xFFFFFF00  }
0x70: {  	[tilespmem:s17], [sflag:$0x1] =	stream.indirect.gather [hbm4b:s5+s16], $0x80, s3, s16, $0xb8;
	[tilespmem:$0x1C200] =	vst v63  }
0x71: {  	_ =	swait.ge [sflag:s28], $0x4000  }
0x72: {  	[sflag:s28] =	ssyncset.done $0x0  }
0x73: {  	[sflag:s28] =	ssyncadd.s32 $0xFFFFC000  }
0x74: {  	[spmem:s1] =	stream.indirect.scatter.add.f32 [tilespmem:s25], [sflag:$0x3], $0x80, s29, s16, $0xb8;
	[tilespmem:$0x1C200] =	vst v63  }
0x75: {  	_ =	swait.ge [sflag:s15], $0x4000  }
0x76: {  	[sflag:s15] =	ssyncset.done $0x0  }
0x77: {  	[sflag:s15] =	ssyncadd.s32 $0xFFFFC000  }
0x78: {  	_ =	swait.ge [sflag:s26], $0x4000  }
0x79: {  	[sflag:s26] =	ssyncset.done $0x0  }
0x7a: {  	[sflag:s26] =	ssyncadd.s32 $0xFFFFC000  }
0x7b: {  	[spmem:s1] =	stream.indirect.scatter.add.f32 [tilespmem:s17], [sflag:$0x3], $0x80, s16, s16, $0xb8;
	[tilespmem:$0x1C200] =	vst v63  }
0x7c: {  	s31 =	stileid.u32;
	_ =	swait.ge [sflag:s15], $0x4000  }
0x7d: {  	s2 =	sshrl.u32 s8, $0x3;
	s30 =	sadd.s32 $0x1, s30;
	[sflag:s15] =	ssyncset.done $0x0  }
0x7e: {  	p3 =	sne.s32 s30, s12;
	s0 =	sshll.u32 s31, $0x6;
	[sflag:s15] =	ssyncadd.s32 $0xFFFFC000  }
.Ltmp1:
0x7f: {  	s0 =	sor.u32 $0x1C03, s0;
	[bflag:$0x0] =	sbarrier.arrive $0xFFFF;
	(pc) =	sbr.rel @p3 .LBB2_1-.Ltmp1, $4  }
0x80: {  	[hbm:s11], [sflag:s0] =	dma.local [spmem:s2], $0x2800  }
0x81: {  	_ =	swait.ge [sflag:s15], $0x2800  }
0x82: {  	[sflag:s15] =	ssyncset.done $0x0  }
0x83: {  	[sflag:s15] =	ssyncadd.s32 $0xFFFFD800  }
0x84: {  	_ =	sfence.sel $0x180000  }
0x85: {  	[bflag:$0x0] =	sbarrier.arrive $0xFFFF  }
0x86: {  	_ =	strace $0x9000004A  }
0x87: {  	s0 =	stileid.u32;
	[bflag:$0x2] =	sbarrier.arrive $0xFFFF  }
0x88: {  	p0 =	sne.s32 s0, $0x0;
	s0 =	rddreg [dreg:$0x2]  }
0x89: {  	s0 =	sadd.s32 @!p0 $0x100000, s0  }
0x8a: {  	[sflag:s0] =	ssyncadd.tile.s32 @!p0 $0x1;
	_ =	shalt  }
.Lfunc_end2:
_tile_overlayer_lowered:
.L_overlay_start_2:
0x8b: {  	(tag) =	ssettag $0x2  }
0x8c: {  	s0 =	rddreg [dreg:$0x0];
	s2 =	stileid.u32  }
0x8d: {  	s1 =	rddreg [dreg:$0x1];
	p0 =	sne.s32 s2, $0x0  }
0x8e: {  	s3 =	rddreg [dreg:$0x2];
	[bflag:$0x3] =	sbarrier.arrive $0xFFFF;
	s2 =	simm.s32 @!p0 $0x1C03  }
0x8f: {  	[timem:s3], [sflag:s2] =	dma.local @!p0 [hbm:s0], s1  }
0x90: {  	s0 =	simm.s32 @!p0 $0x3  }
0x91: {  	_ =	swait.ge @!p0 [sflag:s0], s1  }
0x92: {  	s1 =	ssub.s32 @!p0 $0x0, s1;
	[sflag:s0] =	ssyncset.done @!p0 $0x0  }
0x93: {  	[sflag:s0] =	ssyncadd.s32 @!p0 s1  }
0x94: {  	[bflag:$0x3] =	sbarrier.arrive $0xFFFF  }
0x95: {  	_ =	shalt  }

</sc_bundles>
